<compile_context>
chip_gen: v7x
topology: tpu7x:2x2x1
jax: 0.10.2.dev20260603
libtpu: 0.0.44.dev20260713+nightly
codegen_flags: <defaults>
</compile_context>

<pallas_src>
import functools

import jax
import jax.numpy as jnp
from jax import lax
from jax.experimental import pallas as pl
from jax.experimental.pallas import tpu as pltpu
from jax.experimental.pallas import tpu_sc as plsc

_CTX = 77
_PROMPT = 10
_D = 512


def _build(batch):
    info = plsc.get_sparse_core_info()
    nc, ns = info.num_cores, info.num_subcores
    nw = nc * ns
    assert batch % nw == 0
    bpw = batch // nw
    assert bpw % 3 == 2 and bpw >= 5
    mesh = plsc.VectorSubcoreMesh(core_axis_name="c", subcore_axis_name="s")

    n_tail = _CTX - 1 - _PROMPT

    @functools.partial(
        pl.kernel,
        mesh=mesh,
        out_type=jax.ShapeDtypeStruct((batch, _CTX, _D), jnp.float32),
        compiler_params=pltpu.CompilerParams(use_tc_tiling_on_sc=False),
        scratch_types=[
            pltpu.VMEM((bpw, 1), jnp.int32),
            pltpu.VMEM((bpw, _PROMPT), jnp.int32),
            pltpu.VMEM((bpw, n_tail), jnp.int32),
            [pltpu.VMEM((_CTX, _D), jnp.float32)] * 3,
            [pltpu.SemaphoreType.DMA] * 3,
            [pltpu.SemaphoreType.DMA] * 3,
        ],
    )
    def k(idx0_hbm, idx1_hbm, idx2_hbm, pt_hbm, clip_hbm, out_hbm,
          idx0_v, idx1_v, idx2_v, bufs, gsems, osems):
        wid = lax.axis_index("s") * nc + lax.axis_index("c")
        base = wid * bpw
        pltpu.sync_copy(idx0_hbm.at[pl.ds(base, bpw)], idx0_v)
        pltpu.sync_copy(idx1_hbm.at[pl.ds(base, bpw)], idx1_v)
        pltpu.sync_copy(idx2_hbm.at[pl.ds(base, bpw)], idx2_v)

        def fire_gathers(b, p):
            buf, sem = bufs[p], gsems[p]
            pltpu.async_copy(
                clip_hbm.at[idx0_v.at[b]], buf.at[pl.ds(0, 1)], sem)
            pltpu.async_copy(
                pt_hbm.at[idx1_v.at[b]], buf.at[pl.ds(1, _PROMPT)], sem)
            pltpu.async_copy(
                clip_hbm.at[idx2_v.at[b]], buf.at[pl.ds(1 + _PROMPT, n_tail)],
                sem)

        def wait_gathers(p):
            pltpu.make_async_copy(
                clip_hbm.at[pl.ds(0, _CTX)], bufs[p], gsems[p]).wait()

        def fire_out(b, p):
            pltpu.async_copy(bufs[p], out_hbm.at[base + b], osems[p])

        def wait_out(p):
            pltpu.make_async_copy(bufs[p], out_hbm.at[base], osems[p]).wait()

        fire_gathers(0, 0)

        def step(it, carry):
            j0 = 3 * it
            for o in range(3):
                j = j0 + o

                @pl.when(j >= 2)
                def _():
                    wait_out((o + 1) % 3)

                fire_gathers(j + 1, (o + 1) % 3)
                wait_gathers(o)
                fire_out(j, o)
            return carry

        lax.fori_loop(0, (bpw - 2) // 3, step, 0)

        p = (bpw - 2) % 3
        wait_gathers(p)
        fire_out(bpw - 2, p)
        wait_out((p + 1) % 3)
        fire_gathers(bpw - 1, (p + 1) % 3)
        wait_gathers((p + 1) % 3)
        fire_out(bpw - 1, (p + 1) % 3)
        wait_out((p + 2) % 3)
        wait_out(p)
        wait_out((p + 1) % 3)

    return k


def kernel(tokens, pt_table, clip_table):
    batch = tokens.shape[0]
    idx0 = tokens[:, 0:1].astype(jnp.int32)
    idx1 = tokens[:, 1:1 + _PROMPT].astype(jnp.int32)
    idx2 = tokens[:, 1 + _PROMPT:_CTX].astype(jnp.int32)
    return _build(batch)(idx0, idx1, idx2, pt_table, clip_table)

# --- scband reference (transcript-rebuilt; emitter-appended) ---
"""Pipeline reference for scband-p-tuningembedding-35416300322836 (READ-ONLY COPY).

The authoritative reference and input builder live on the scoring server;
editing this copy changes nothing except your own understanding.
"""

import jax, jax.numpy as jnp
import numpy as np

PROMPT_TOKENS = 10
CTX_LEN = 77
CLIP_VOCAB = 49408
PT_VOCAB = 50010
D = 512
BATCH = 1024


def setup_inputs(seed: int = 0) -> dict:
    key = jax.random.key(seed)
    k1, k2, k3 = jax.random.split(key, 3)
    tokens = jax.random.randint(k1, (BATCH, CTX_LEN), 0, CLIP_VOCAB, dtype=jnp.int32)
    pt_table = jax.random.normal(k2, (PT_VOCAB, D), dtype=jnp.float32) * 0.02
    clip_table = jax.random.normal(k3, (CLIP_VOCAB, D), dtype=jnp.float32) * 0.02
    return {"tokens": tokens, "pt_table": pt_table, "clip_table": clip_table}


def reference(tokens, pt_table, clip_table):
    tokenNum = PROMPT_TOKENS
    mask_np = np.array([0] + [1 for _ in range(tokenNum)] + [0 for _ in range(76 - tokenNum)], dtype=np.float32)
    mask_org_np = 1.0 - mask_np
    mask = jnp.asarray(mask_np)[:, None]          # [77, 1]
    mask_org = jnp.asarray(mask_org_np)[:, None]  # [77, 1]
    # mirror the torch transpose dance: [B,77] -> [1,B,77] -> [1,77,B]
    newtokens = jnp.transpose(tokens[None, :, :], (0, 2, 1))
    token = jnp.transpose(newtokens * mask.astype(jnp.int32), (0, 2, 1))[0]        # [B,77]
    token_org = jnp.transpose(newtokens * mask_org.astype(jnp.int32), (0, 2, 1))[0]  # [B,77]
    emb = jnp.take(pt_table, token, axis=0)        # [B,77,512]
    emb_org = jnp.take(clip_table, token_org, axis=0)  # [B,77,512]
    finalembedding = emb_org * mask_org + emb * mask   # [77,1] broadcasts over [B,77,512]
    return finalembedding

if __name__ == "__main__":
    import jax
    _d = setup_inputs()
    print(jax.jit(kernel)(*tuple(_d.values())))

</pallas_src>

<mosaic_0001>
#map = affine_map<(d0, d1) -> (0, 0)>
#map1 = affine_map<(d0, d1) -> (0, 0, 0)>
module attributes {stable_mosaic.version = 14 : i64} {
  func.func @k(%arg0: i32, %arg1: i32, %arg2: memref<1024x1xi32, #tpu.memory_space<hbm>>, %arg3: memref<1024x10xi32, #tpu.memory_space<hbm>>, %arg4: memref<1024x66xi32, #tpu.memory_space<hbm>>, %arg5: memref<50010x512xf32, #tpu.memory_space<hbm>>, %arg6: memref<49408x512xf32, #tpu.memory_space<hbm>>, %arg7: memref<1024x77x512xf32, #tpu.memory_space<hbm>>, %arg8: memref<32x1xi32, #tpu.memory_space<vmem>>, %arg9: memref<32x10xi32, #tpu.memory_space<vmem>>, %arg10: memref<32x66xi32, #tpu.memory_space<vmem>>, %arg11: memref<77x512xf32, #tpu.memory_space<vmem>>, %arg12: memref<77x512xf32, #tpu.memory_space<vmem>>, %arg13: memref<77x512xf32, #tpu.memory_space<vmem>>, %arg14: memref<!tpu.dma_semaphore, #tpu.memory_space<semaphore_mem>>, %arg15: memref<!tpu.dma_semaphore, #tpu.memory_space<semaphore_mem>>, %arg16: memref<!tpu.dma_semaphore, #tpu.memory_space<semaphore_mem>>, %arg17: memref<!tpu.dma_semaphore, #tpu.memory_space<semaphore_mem>>, %arg18: memref<!tpu.dma_semaphore, #tpu.memory_space<semaphore_mem>>, %arg19: memref<!tpu.dma_semaphore, #tpu.memory_space<semaphore_mem>>) attributes {dimension_semantics = [#tpu.dimension_semantics<core_parallel>, #tpu.dimension_semantics<subcore_parallel>], iteration_bounds = array<i64: 2, 16>, scalar_prefetch = 0 : i64, scratch_operands = 12 : i64, tpu.core_type = #tpu.core_type<sc_vector_subcore>, window_params = [{transform_indices = #map}, {transform_indices = #map}, {transform_indices = #map}, {transform_indices = #map}, {transform_indices = #map}, {transform_indices = #map1}]} {
    %mul3A = arith.constant 2 : i32
    %mul3A_0 = arith.muli %arg1, %mul3A : i32
    %add3A = arith.addi %mul3A_0, %arg0 : i32
    %mul3A_1 = arith.constant 32 : i32
    %mul3A_2 = arith.muli %add3A, %mul3A_1 : i32
    "tpu.region"() ({
      %run_scoped3A = tpu.sem_alloc : memref<!tpu.dma_semaphore, #tpu.memory_space<semaphore_mem>>
      %dma_start3A_130 = arith.constant 0 : i32
      %dma_start3A_131 = tpu.memref_slice %arg2[%mul3A_2, %dma_start3A_130] : memref<1024x1xi32, #tpu.memory_space<hbm>> -> memref<32x1xi32, #tpu.memory_space<hbm>>
      %dma_start3A_132 = arith.constant 0 : i32
      %dma_start3A_133 = tpu.memref_slice %arg2[%mul3A_2, %dma_start3A_132] : memref<1024x1xi32, #tpu.memory_space<hbm>> -> memref<32x1xi32, #tpu.memory_space<hbm>>
      tpu.enqueue_dma source(%dma_start3A_133 : memref<32x1xi32, #tpu.memory_space<hbm>>) target(%arg8 : memref<32x1xi32, #tpu.memory_space<vmem>>) target_semaphore(%run_scoped3A : memref<!tpu.dma_semaphore, #tpu.memory_space<semaphore_mem>>)
      %dma_wait3A_134 = arith.constant 0 : i32
      %dma_wait3A_135 = tpu.memref_slice %arg2[%mul3A_2, %dma_wait3A_134] : memref<1024x1xi32, #tpu.memory_space<hbm>> -> memref<32x1xi32, #tpu.memory_space<hbm>>
      %dma_wait3A_136 = arith.constant 0 : i32
      %dma_wait3A_137 = tpu.memref_slice %arg2[%mul3A_2, %dma_wait3A_136] : memref<1024x1xi32, #tpu.memory_space<hbm>> -> memref<32x1xi32, #tpu.memory_space<hbm>>
      tpu.wait_dma2 semaphore(%run_scoped3A : memref<!tpu.dma_semaphore, #tpu.memory_space<semaphore_mem>>) src(%dma_wait3A_137 : memref<32x1xi32, #tpu.memory_space<hbm>>) dst(%arg8 : memref<32x1xi32, #tpu.memory_space<vmem>>)
      tpu.yield
    }) : () -> ()
    "tpu.region"() ({
      %run_scoped3A = tpu.sem_alloc : memref<!tpu.dma_semaphore, #tpu.memory_space<semaphore_mem>>
      %dma_start3A_130 = arith.constant 0 : i32
      %dma_start3A_131 = tpu.memref_slice %arg3[%mul3A_2, %dma_start3A_130] : memref<1024x10xi32, #tpu.memory_space<hbm>> -> memref<32x10xi32, #tpu.memory_space<hbm>>
      %dma_start3A_132 = arith.constant 0 : i32
      %dma_start3A_133 = tpu.memref_slice %arg3[%mul3A_2, %dma_start3A_132] : memref<1024x10xi32, #tpu.memory_space<hbm>> -> memref<32x10xi32, #tpu.memory_space<hbm>>
      tpu.enqueue_dma source(%dma_start3A_133 : memref<32x10xi32, #tpu.memory_space<hbm>>) target(%arg9 : memref<32x10xi32, #tpu.memory_space<vmem>>) target_semaphore(%run_scoped3A : memref<!tpu.dma_semaphore, #tpu.memory_space<semaphore_mem>>)
      %dma_wait3A_134 = arith.constant 0 : i32
      %dma_wait3A_135 = tpu.memref_slice %arg3[%mul3A_2, %dma_wait3A_134] : memref<1024x10xi32, #tpu.memory_space<hbm>> -> memref<32x10xi32, #tpu.memory_space<hbm>>
      %dma_wait3A_136 = arith.constant 0 : i32
      %dma_wait3A_137 = tpu.memref_slice %arg3[%mul3A_2, %dma_wait3A_136] : memref<1024x10xi32, #tpu.memory_space<hbm>> -> memref<32x10xi32, #tpu.memory_space<hbm>>
      tpu.wait_dma2 semaphore(%run_scoped3A : memref<!tpu.dma_semaphore, #tpu.memory_space<semaphore_mem>>) src(%dma_wait3A_137 : memref<32x10xi32, #tpu.memory_space<hbm>>) dst(%arg9 : memref<32x10xi32, #tpu.memory_space<vmem>>)
      tpu.yield
    }) : () -> ()
    "tpu.region"() ({
      %run_scoped3A = tpu.sem_alloc : memref<!tpu.dma_semaphore, #tpu.memory_space<semaphore_mem>>
      %dma_start3A_130 = arith.constant 0 : i32
      %dma_start3A_131 = tpu.memref_slice %arg4[%mul3A_2, %dma_start3A_130] : memref<1024x66xi32, #tpu.memory_space<hbm>> -> memref<32x66xi32, #tpu.memory_space<hbm>>
      %dma_start3A_132 = arith.constant 0 : i32
      %dma_start3A_133 = tpu.memref_slice %arg4[%mul3A_2, %dma_start3A_132] : memref<1024x66xi32, #tpu.memory_space<hbm>> -> memref<32x66xi32, #tpu.memory_space<hbm>>
      tpu.enqueue_dma source(%dma_start3A_133 : memref<32x66xi32, #tpu.memory_space<hbm>>) target(%arg10 : memref<32x66xi32, #tpu.memory_space<vmem>>) target_semaphore(%run_scoped3A : memref<!tpu.dma_semaphore, #tpu.memory_space<semaphore_mem>>)
      %dma_wait3A_134 = arith.constant 0 : i32
      %dma_wait3A_135 = tpu.memref_slice %arg4[%mul3A_2, %dma_wait3A_134] : memref<1024x66xi32, #tpu.memory_space<hbm>> -> memref<32x66xi32, #tpu.memory_space<hbm>>
      %dma_wait3A_136 = arith.constant 0 : i32
      %dma_wait3A_137 = tpu.memref_slice %arg4[%mul3A_2, %dma_wait3A_136] : memref<1024x66xi32, #tpu.memory_space<hbm>> -> memref<32x66xi32, #tpu.memory_space<hbm>>
      tpu.wait_dma2 semaphore(%run_scoped3A : memref<!tpu.dma_semaphore, #tpu.memory_space<semaphore_mem>>) src(%dma_wait3A_137 : memref<32x66xi32, #tpu.memory_space<hbm>>) dst(%arg10 : memref<32x66xi32, #tpu.memory_space<vmem>>)
      tpu.yield
    }) : () -> ()
    %dma_start3A = arith.constant 0 : i32
    %dma_start3A_3 = arith.constant 0 : i32
    %dma_start3A_4 = arith.constant 0 : i32
    %dma_start3A_5 = tpu.memref_slice %arg11[%dma_start3A_3, %dma_start3A_4] : memref<77x512xf32, #tpu.memory_space<vmem>> -> memref<1x512xf32, #tpu.memory_space<vmem>>
    %dma_start3A_6 = arith.constant 0 : i32
    %dma_start3A_7 = tpu.memref_slice %arg8[%dma_start3A, %dma_start3A_6] : memref<32x1xi32, #tpu.memory_space<vmem>> -> memref<1x1xi32, #tpu.memory_space<vmem>>
    %dma_start3A_8 = tpu.memref_squeeze %dma_start3A_7 : memref<1x1xi32, #tpu.memory_space<vmem>> -> memref<1xi32, #tpu.memory_space<vmem>>
    %dma_start3A_9 = arith.constant 0 : i32
    %dma_start3A_10 = arith.constant 0 : i32
    %dma_start3A_11 = tpu.memref_slice %arg6[%dma_start3A_9, %dma_start3A_10] : memref<49408x512xf32, #tpu.memory_space<hbm>> -> memref<49408x512xf32, #tpu.memory_space<hbm>>
    tpu.enqueue_indirect_dma source(%dma_start3A_11 : memref<49408x512xf32, #tpu.memory_space<hbm>>) target(%dma_start3A_5 : memref<1x512xf32, #tpu.memory_space<vmem>>) offsets(%dma_start3A_8 : memref<1xi32, #tpu.memory_space<vmem>>) semaphore(%arg14 : memref<!tpu.dma_semaphore, #tpu.memory_space<semaphore_mem>>)
    %dma_start3A_12 = arith.constant 0 : i32
    %dma_start3A_13 = arith.constant 1 : i32
    %dma_start3A_14 = arith.constant 0 : i32
    %dma_start3A_15 = tpu.memref_slice %arg11[%dma_start3A_13, %dma_start3A_14] : memref<77x512xf32, #tpu.memory_space<vmem>> -> memref<10x512xf32, #tpu.memory_space<vmem>>
    %dma_start3A_16 = arith.constant 0 : i32
    %dma_start3A_17 = tpu.memref_slice %arg9[%dma_start3A_12, %dma_start3A_16] : memref<32x10xi32, #tpu.memory_space<vmem>> -> memref<1x10xi32, #tpu.memory_space<vmem>>
    %dma_start3A_18 = tpu.memref_squeeze %dma_start3A_17 : memref<1x10xi32, #tpu.memory_space<vmem>> -> memref<10xi32, #tpu.memory_space<vmem>>
    %dma_start3A_19 = arith.constant 0 : i32
    %dma_start3A_20 = arith.constant 0 : i32
    %dma_start3A_21 = tpu.memref_slice %arg5[%dma_start3A_19, %dma_start3A_20] : memref<50010x512xf32, #tpu.memory_space<hbm>> -> memref<50010x512xf32, #tpu.memory_space<hbm>>
    tpu.enqueue_indirect_dma source(%dma_start3A_21 : memref<50010x512xf32, #tpu.memory_space<hbm>>) target(%dma_start3A_15 : memref<10x512xf32, #tpu.memory_space<vmem>>) offsets(%dma_start3A_18 : memref<10xi32, #tpu.memory_space<vmem>>) semaphore(%arg14 : memref<!tpu.dma_semaphore, #tpu.memory_space<semaphore_mem>>)
    %dma_start3A_22 = arith.constant 0 : i32
    %dma_start3A_23 = arith.constant 11 : i32
    %dma_start3A_24 = arith.constant 0 : i32
    %dma_start3A_25 = tpu.memref_slice %arg11[%dma_start3A_23, %dma_start3A_24] : memref<77x512xf32, #tpu.memory_space<vmem>> -> memref<66x512xf32, #tpu.memory_space<vmem>>
    %dma_start3A_26 = arith.constant 0 : i32
    %dma_start3A_27 = tpu.memref_slice %arg10[%dma_start3A_22, %dma_start3A_26] : memref<32x66xi32, #tpu.memory_space<vmem>> -> memref<1x66xi32, #tpu.memory_space<vmem>>
    %dma_start3A_28 = tpu.memref_squeeze %dma_start3A_27 : memref<1x66xi32, #tpu.memory_space<vmem>> -> memref<66xi32, #tpu.memory_space<vmem>>
    %dma_start3A_29 = arith.constant 0 : i32
    %dma_start3A_30 = arith.constant 0 : i32
    %dma_start3A_31 = tpu.memref_slice %arg6[%dma_start3A_29, %dma_start3A_30] : memref<49408x512xf32, #tpu.memory_space<hbm>> -> memref<49408x512xf32, #tpu.memory_space<hbm>>
    tpu.enqueue_indirect_dma source(%dma_start3A_31 : memref<49408x512xf32, #tpu.memory_space<hbm>>) target(%dma_start3A_25 : memref<66x512xf32, #tpu.memory_space<vmem>>) offsets(%dma_start3A_28 : memref<66xi32, #tpu.memory_space<vmem>>) semaphore(%arg14 : memref<!tpu.dma_semaphore, #tpu.memory_space<semaphore_mem>>)
    %scan3A = arith.constant 0 : i32
    %scan3A_32 = arith.constant 0 : i32
    %scan3A_33 = arith.constant 10 : i32
    %scan3A_34 = arith.addi %scan3A_32, %scan3A_33 : i32
    %scan3A_35 = arith.constant 1 : i32
    scf.for %scan3A_130 = %scan3A_32 to %scan3A_34 step %scan3A_35  : i32 {
      %mul3A_131 = arith.constant 3 : i32
      %mul3A_132 = arith.muli %mul3A_131, %scan3A_130 : i32
      %add3A_133 = arith.constant 0 : i32
      %add3A_134 = arith.addi %mul3A_132, %add3A_133 : i32
      %ge3A = arith.constant 2 : i32
      %ge3A_135 = arith.cmpi sge, %add3A_134, %ge3A : i32
      %convert_element_type3A = arith.extui %ge3A_135 : i1 to i32
      %cond3A = arith.constant 0 : i32
      %cond3A_136 = arith.cmpi ne, %convert_element_type3A, %cond3A : i32
      scf.if %cond3A_136 {
        %dma_wait3A_283 = arith.constant 0 : i32
        %dma_wait3A_284 = arith.constant 0 : i32
        %dma_wait3A_285 = tpu.memref_slice %arg7[%mul3A_2, %dma_wait3A_283, %dma_wait3A_284] : memref<1024x77x512xf32, #tpu.memory_space<hbm>> -> memref<1x77x512xf32, #tpu.memory_space<hbm>>
        %dma_wait3A_286 = tpu.memref_squeeze %dma_wait3A_285 : memref<1x77x512xf32, #tpu.memory_space<hbm>> -> memref<77x512xf32, #tpu.memory_space<hbm>>
        %dma_wait3A_287 = arith.constant 0 : i32
        %dma_wait3A_288 = arith.constant 0 : i32
        %dma_wait3A_289 = tpu.memref_slice %arg7[%mul3A_2, %dma_wait3A_287, %dma_wait3A_288] : memref<1024x77x512xf32, #tpu.memory_space<hbm>> -> memref<1x77x512xf32, #tpu.memory_space<hbm>>
        %dma_wait3A_290 = tpu.memref_squeeze %dma_wait3A_289 : memref<1x77x512xf32, #tpu.memory_space<hbm>> -> memref<77x512xf32, #tpu.memory_space<hbm>>
        tpu.wait_dma2 semaphore(%arg18 : memref<!tpu.dma_semaphore, #tpu.memory_space<semaphore_mem>>) src(%arg12 : memref<77x512xf32, #tpu.memory_space<vmem>>) dst(%dma_wait3A_290 : memref<77x512xf32, #tpu.memory_space<hbm>>)
      } else {
      }
      %add3A_137 = arith.constant 1 : i32
      %add3A_138 = arith.addi %add3A_134, %add3A_137 : i32
      %dma_start3A_139 = arith.constant 0 : i32
      %dma_start3A_140 = arith.constant 0 : i32
      %dma_start3A_141 = tpu.memref_slice %arg12[%dma_start3A_139, %dma_start3A_140] : memref<77x512xf32, #tpu.memory_space<vmem>> -> memref<1x512xf32, #tpu.memory_space<vmem>>
      %dma_start3A_142 = arith.constant 0 : i32
      %dma_start3A_143 = tpu.memref_slice %arg8[%add3A_138, %dma_start3A_142] : memref<32x1xi32, #tpu.memory_space<vmem>> -> memref<1x1xi32, #tpu.memory_space<vmem>>
      %dma_start3A_144 = tpu.memref_squeeze %dma_start3A_143 : memref<1x1xi32, #tpu.memory_space<vmem>> -> memref<1xi32, #tpu.memory_space<vmem>>
      %dma_start3A_145 = arith.constant 0 : i32
      %dma_start3A_146 = arith.constant 0 : i32
      %dma_start3A_147 = tpu.memref_slice %arg6[%dma_start3A_145, %dma_start3A_146] : memref<49408x512xf32, #tpu.memory_space<hbm>> -> memref<49408x512xf32, #tpu.memory_space<hbm>>
      tpu.enqueue_indirect_dma source(%dma_start3A_147 : memref<49408x512xf32, #tpu.memory_space<hbm>>) target(%dma_start3A_141 : memref<1x512xf32, #tpu.memory_space<vmem>>) offsets(%dma_start3A_144 : memref<1xi32, #tpu.memory_space<vmem>>) semaphore(%arg15 : memref<!tpu.dma_semaphore, #tpu.memory_space<semaphore_mem>>)
      %dma_start3A_148 = arith.constant 1 : i32
      %dma_start3A_149 = arith.constant 0 : i32
      %dma_start3A_150 = tpu.memref_slice %arg12[%dma_start3A_148, %dma_start3A_149] : memref<77x512xf32, #tpu.memory_space<vmem>> -> memref<10x512xf32, #tpu.memory_space<vmem>>
      %dma_start3A_151 = arith.constant 0 : i32
      %dma_start3A_152 = tpu.memref_slice %arg9[%add3A_138, %dma_start3A_151] : memref<32x10xi32, #tpu.memory_space<vmem>> -> memref<1x10xi32, #tpu.memory_space<vmem>>
      %dma_start3A_153 = tpu.memref_squeeze %dma_start3A_152 : memref<1x10xi32, #tpu.memory_space<vmem>> -> memref<10xi32, #tpu.memory_space<vmem>>
      %dma_start3A_154 = arith.constant 0 : i32
      %dma_start3A_155 = arith.constant 0 : i32
      %dma_start3A_156 = tpu.memref_slice %arg5[%dma_start3A_154, %dma_start3A_155] : memref<50010x512xf32, #tpu.memory_space<hbm>> -> memref<50010x512xf32, #tpu.memory_space<hbm>>
      tpu.enqueue_indirect_dma source(%dma_start3A_156 : memref<50010x512xf32, #tpu.memory_space<hbm>>) target(%dma_start3A_150 : memref<10x512xf32, #tpu.memory_space<vmem>>) offsets(%dma_start3A_153 : memref<10xi32, #tpu.memory_space<vmem>>) semaphore(%arg15 : memref<!tpu.dma_semaphore, #tpu.memory_space<semaphore_mem>>)
      %dma_start3A_157 = arith.constant 11 : i32
      %dma_start3A_158 = arith.constant 0 : i32
      %dma_start3A_159 = tpu.memref_slice %arg12[%dma_start3A_157, %dma_start3A_158] : memref<77x512xf32, #tpu.memory_space<vmem>> -> memref<66x512xf32, #tpu.memory_space<vmem>>
      %dma_start3A_160 = arith.constant 0 : i32
      %dma_start3A_161 = tpu.memref_slice %arg10[%add3A_138, %dma_start3A_160] : memref<32x66xi32, #tpu.memory_space<vmem>> -> memref<1x66xi32, #tpu.memory_space<vmem>>
      %dma_start3A_162 = tpu.memref_squeeze %dma_start3A_161 : memref<1x66xi32, #tpu.memory_space<vmem>> -> memref<66xi32, #tpu.memory_space<vmem>>
      %dma_start3A_163 = arith.constant 0 : i32
      %dma_start3A_164 = arith.constant 0 : i32
      %dma_start3A_165 = tpu.memref_slice %arg6[%dma_start3A_163, %dma_start3A_164] : memref<49408x512xf32, #tpu.memory_space<hbm>> -> memref<49408x512xf32, #tpu.memory_space<hbm>>
      tpu.enqueue_indirect_dma source(%dma_start3A_165 : memref<49408x512xf32, #tpu.memory_space<hbm>>) target(%dma_start3A_159 : memref<66x512xf32, #tpu.memory_space<vmem>>) offsets(%dma_start3A_162 : memref<66xi32, #tpu.memory_space<vmem>>) semaphore(%arg15 : memref<!tpu.dma_semaphore, #tpu.memory_space<semaphore_mem>>)
      %dma_wait3A_166 = arith.constant 0 : i32
      %dma_wait3A_167 = arith.constant 0 : i32
      %dma_wait3A_168 = tpu.memref_slice %arg6[%dma_wait3A_166, %dma_wait3A_167] : memref<49408x512xf32, #tpu.memory_space<hbm>> -> memref<77x512xf32, #tpu.memory_space<hbm>>
      %dma_wait3A_169 = arith.constant 0 : i32
      %dma_wait3A_170 = arith.constant 0 : i32
      %dma_wait3A_171 = tpu.memref_slice %arg6[%dma_wait3A_169, %dma_wait3A_170] : memref<49408x512xf32, #tpu.memory_space<hbm>> -> memref<77x512xf32, #tpu.memory_space<hbm>>
      tpu.wait_dma2 semaphore(%arg14 : memref<!tpu.dma_semaphore, #tpu.memory_space<semaphore_mem>>) src(%dma_wait3A_171 : memref<77x512xf32, #tpu.memory_space<hbm>>) dst(%arg11 : memref<77x512xf32, #tpu.memory_space<vmem>>)
      %add3A_172 = arith.addi %mul3A_2, %add3A_134 : i32
      %dma_start3A_173 = arith.constant 0 : i32
      %dma_start3A_174 = arith.constant 0 : i32
      %dma_start3A_175 = tpu.memref_slice %arg7[%add3A_172, %dma_start3A_173, %dma_start3A_174] : memref<1024x77x512xf32, #tpu.memory_space<hbm>> -> memref<1x77x512xf32, #tpu.memory_space<hbm>>
      %dma_start3A_176 = tpu.memref_squeeze %dma_start3A_175 : memref<1x77x512xf32, #tpu.memory_space<hbm>> -> memref<77x512xf32, #tpu.memory_space<hbm>>
      %dma_start3A_177 = arith.constant 0 : i32
      %dma_start3A_178 = arith.constant 0 : i32
      %dma_start3A_179 = tpu.memref_slice %arg7[%add3A_172, %dma_start3A_177, %dma_start3A_178] : memref<1024x77x512xf32, #tpu.memory_space<hbm>> -> memref<1x77x512xf32, #tpu.memory_space<hbm>>
      %dma_start3A_180 = tpu.memref_squeeze %dma_start3A_179 : memref<1x77x512xf32, #tpu.memory_space<hbm>> -> memref<77x512xf32, #tpu.memory_space<hbm>>
      tpu.enqueue_dma source(%arg11 : memref<77x512xf32, #tpu.memory_space<vmem>>) target(%dma_start3A_180 : memref<77x512xf32, #tpu.memory_space<hbm>>) target_semaphore(%arg17 : memref<!tpu.dma_semaphore, #tpu.memory_space<semaphore_mem>>)
      %add3A_181 = arith.constant 1 : i32
      %add3A_182 = arith.addi %mul3A_132, %add3A_181 : i32
      %ge3A_183 = arith.constant 2 : i32
      %ge3A_184 = arith.cmpi sge, %add3A_182, %ge3A_183 : i32
      %convert_element_type3A_185 = arith.extui %ge3A_184 : i1 to i32
      %cond3A_186 = arith.constant 0 : i32
      %cond3A_187 = arith.cmpi ne, %convert_element_type3A_185, %cond3A_186 : i32
      scf.if %cond3A_187 {
        %dma_wait3A_283 = arith.constant 0 : i32
        %dma_wait3A_284 = arith.constant 0 : i32
        %dma_wait3A_285 = tpu.memref_slice %arg7[%mul3A_2, %dma_wait3A_283, %dma_wait3A_284] : memref<1024x77x512xf32, #tpu.memory_space<hbm>> -> memref<1x77x512xf32, #tpu.memory_space<hbm>>
        %dma_wait3A_286 = tpu.memref_squeeze %dma_wait3A_285 : memref<1x77x512xf32, #tpu.memory_space<hbm>> -> memref<77x512xf32, #tpu.memory_space<hbm>>
        %dma_wait3A_287 = arith.constant 0 : i32
        %dma_wait3A_288 = arith.constant 0 : i32
        %dma_wait3A_289 = tpu.memref_slice %arg7[%mul3A_2, %dma_wait3A_287, %dma_wait3A_288] : memref<1024x77x512xf32, #tpu.memory_space<hbm>> -> memref<1x77x512xf32, #tpu.memory_space<hbm>>
        %dma_wait3A_290 = tpu.memref_squeeze %dma_wait3A_289 : memref<1x77x512xf32, #tpu.memory_space<hbm>> -> memref<77x512xf32, #tpu.memory_space<hbm>>
        tpu.wait_dma2 semaphore(%arg19 : memref<!tpu.dma_semaphore, #tpu.memory_space<semaphore_mem>>) src(%arg13 : memref<77x512xf32, #tpu.memory_space<vmem>>) dst(%dma_wait3A_290 : memref<77x512xf32, #tpu.memory_space<hbm>>)
      } else {
      }
      %add3A_188 = arith.constant 1 : i32
      %add3A_189 = arith.addi %add3A_182, %add3A_188 : i32
      %dma_start3A_190 = arith.constant 0 : i32
      %dma_start3A_191 = arith.constant 0 : i32
      %dma_start3A_192 = tpu.memref_slice %arg13[%dma_start3A_190, %dma_start3A_191] : memref<77x512xf32, #tpu.memory_space<vmem>> -> memref<1x512xf32, #tpu.memory_space<vmem>>
      %dma_start3A_193 = arith.constant 0 : i32
      %dma_start3A_194 = tpu.memref_slice %arg8[%add3A_189, %dma_start3A_193] : memref<32x1xi32, #tpu.memory_space<vmem>> -> memref<1x1xi32, #tpu.memory_space<vmem>>
      %dma_start3A_195 = tpu.memref_squeeze %dma_start3A_194 : memref<1x1xi32, #tpu.memory_space<vmem>> -> memref<1xi32, #tpu.memory_space<vmem>>
      %dma_start3A_196 = arith.constant 0 : i32
      %dma_start3A_197 = arith.constant 0 : i32
      %dma_start3A_198 = tpu.memref_slice %arg6[%dma_start3A_196, %dma_start3A_197] : memref<49408x512xf32, #tpu.memory_space<hbm>> -> memref<49408x512xf32, #tpu.memory_space<hbm>>
      tpu.enqueue_indirect_dma source(%dma_start3A_198 : memref<49408x512xf32, #tpu.memory_space<hbm>>) target(%dma_start3A_192 : memref<1x512xf32, #tpu.memory_space<vmem>>) offsets(%dma_start3A_195 : memref<1xi32, #tpu.memory_space<vmem>>) semaphore(%arg16 : memref<!tpu.dma_semaphore, #tpu.memory_space<semaphore_mem>>)
      %dma_start3A_199 = arith.constant 1 : i32
      %dma_start3A_200 = arith.constant 0 : i32
      %dma_start3A_201 = tpu.memref_slice %arg13[%dma_start3A_199, %dma_start3A_200] : memref<77x512xf32, #tpu.memory_space<vmem>> -> memref<10x512xf32, #tpu.memory_space<vmem>>
      %dma_start3A_202 = arith.constant 0 : i32
      %dma_start3A_203 = tpu.memref_slice %arg9[%add3A_189, %dma_start3A_202] : memref<32x10xi32, #tpu.memory_space<vmem>> -> memref<1x10xi32, #tpu.memory_space<vmem>>
      %dma_start3A_204 = tpu.memref_squeeze %dma_start3A_203 : memref<1x10xi32, #tpu.memory_space<vmem>> -> memref<10xi32, #tpu.memory_space<vmem>>
      %dma_start3A_205 = arith.constant 0 : i32
      %dma_start3A_206 = arith.constant 0 : i32
      %dma_start3A_207 = tpu.memref_slice %arg5[%dma_start3A_205, %dma_start3A_206] : memref<50010x512xf32, #tpu.memory_space<hbm>> -> memref<50010x512xf32, #tpu.memory_space<hbm>>
      tpu.enqueue_indirect_dma source(%dma_start3A_207 : memref<50010x512xf32, #tpu.memory_space<hbm>>) target(%dma_start3A_201 : memref<10x512xf32, #tpu.memory_space<vmem>>) offsets(%dma_start3A_204 : memref<10xi32, #tpu.memory_space<vmem>>) semaphore(%arg16 : memref<!tpu.dma_semaphore, #tpu.memory_space<semaphore_mem>>)
      %dma_start3A_208 = arith.constant 11 : i32
      %dma_start3A_209 = arith.constant 0 : i32
      %dma_start3A_210 = tpu.memref_slice %arg13[%dma_start3A_208, %dma_start3A_209] : memref<77x512xf32, #tpu.memory_space<vmem>> -> memref<66x512xf32, #tpu.memory_space<vmem>>
      %dma_start3A_211 = arith.constant 0 : i32
      %dma_start3A_212 = tpu.memref_slice %arg10[%add3A_189, %dma_start3A_211] : memref<32x66xi32, #tpu.memory_space<vmem>> -> memref<1x66xi32, #tpu.memory_space<vmem>>
      %dma_start3A_213 = tpu.memref_squeeze %dma_start3A_212 : memref<1x66xi32, #tpu.memory_space<vmem>> -> memref<66xi32, #tpu.memory_space<vmem>>
      %dma_start3A_214 = arith.constant 0 : i32
      %dma_start3A_215 = arith.constant 0 : i32
      %dma_start3A_216 = tpu.memref_slice %arg6[%dma_start3A_214, %dma_start3A_215] : memref<49408x512xf32, #tpu.memory_space<hbm>> -> memref<49408x512xf32, #tpu.memory_space<hbm>>
      tpu.enqueue_indirect_dma source(%dma_start3A_216 : memref<49408x512xf32, #tpu.memory_space<hbm>>) target(%dma_start3A_210 : memref<66x512xf32, #tpu.memory_space<vmem>>) offsets(%dma_start3A_213 : memref<66xi32, #tpu.memory_space<vmem>>) semaphore(%arg16 : memref<!tpu.dma_semaphore, #tpu.memory_space<semaphore_mem>>)
      %dma_wait3A_217 = arith.constant 0 : i32
      %dma_wait3A_218 = arith.constant 0 : i32
      %dma_wait3A_219 = tpu.memref_slice %arg6[%dma_wait3A_217, %dma_wait3A_218] : memref<49408x512xf32, #tpu.memory_space<hbm>> -> memref<77x512xf32, #tpu.memory_space<hbm>>
      %dma_wait3A_220 = arith.constant 0 : i32
      %dma_wait3A_221 = arith.constant 0 : i32
      %dma_wait3A_222 = tpu.memref_slice %arg6[%dma_wait3A_220, %dma_wait3A_221] : memref<49408x512xf32, #tpu.memory_space<hbm>> -> memref<77x512xf32, #tpu.memory_space<hbm>>
      tpu.wait_dma2 semaphore(%arg15 : memref<!tpu.dma_semaphore, #tpu.memory_space<semaphore_mem>>) src(%dma_wait3A_222 : memref<77x512xf32, #tpu.memory_space<hbm>>) dst(%arg12 : memref<77x512xf32, #tpu.memory_space<vmem>>)
      %add3A_223 = arith.addi %mul3A_2, %add3A_182 : i32
      %dma_start3A_224 = arith.constant 0 : i32
      %dma_start3A_225 = arith.constant 0 : i32
      %dma_start3A_226 = tpu.memref_slice %arg7[%add3A_223, %dma_start3A_224, %dma_start3A_225] : memref<1024x77x512xf32, #tpu.memory_space<hbm>> -> memref<1x77x512xf32, #tpu.memory_space<hbm>>
      %dma_start3A_227 = tpu.memref_squeeze %dma_start3A_226 : memref<1x77x512xf32, #tpu.memory_space<hbm>> -> memref<77x512xf32, #tpu.memory_space<hbm>>
      %dma_start3A_228 = arith.constant 0 : i32
      %dma_start3A_229 = arith.constant 0 : i32
      %dma_start3A_230 = tpu.memref_slice %arg7[%add3A_223, %dma_start3A_228, %dma_start3A_229] : memref<1024x77x512xf32, #tpu.memory_space<hbm>> -> memref<1x77x512xf32, #tpu.memory_space<hbm>>
      %dma_start3A_231 = tpu.memref_squeeze %dma_start3A_230 : memref<1x77x512xf32, #tpu.memory_space<hbm>> -> memref<77x512xf32, #tpu.memory_space<hbm>>
      tpu.enqueue_dma source(%arg12 : memref<77x512xf32, #tpu.memory_space<vmem>>) target(%dma_start3A_231 : memref<77x512xf32, #tpu.memory_space<hbm>>) target_semaphore(%arg18 : memref<!tpu.dma_semaphore, #tpu.memory_space<semaphore_mem>>)
      %add3A_232 = arith.constant 2 : i32
      %add3A_233 = arith.addi %mul3A_132, %add3A_232 : i32
      %ge3A_234 = arith.constant 2 : i32
      %ge3A_235 = arith.cmpi sge, %add3A_233, %ge3A_234 : i32
      %convert_element_type3A_236 = arith.extui %ge3A_235 : i1 to i32
      %cond3A_237 = arith.constant 0 : i32
      %cond3A_238 = arith.cmpi ne, %convert_element_type3A_236, %cond3A_237 : i32
      scf.if %cond3A_238 {
        %dma_wait3A_283 = arith.constant 0 : i32
        %dma_wait3A_284 = arith.constant 0 : i32
        %dma_wait3A_285 = tpu.memref_slice %arg7[%mul3A_2, %dma_wait3A_283, %dma_wait3A_284] : memref<1024x77x512xf32, #tpu.memory_space<hbm>> -> memref<1x77x512xf32, #tpu.memory_space<hbm>>
        %dma_wait3A_286 = tpu.memref_squeeze %dma_wait3A_285 : memref<1x77x512xf32, #tpu.memory_space<hbm>> -> memref<77x512xf32, #tpu.memory_space<hbm>>
        %dma_wait3A_287 = arith.constant 0 : i32
        %dma_wait3A_288 = arith.constant 0 : i32
        %dma_wait3A_289 = tpu.memref_slice %arg7[%mul3A_2, %dma_wait3A_287, %dma_wait3A_288] : memref<1024x77x512xf32, #tpu.memory_space<hbm>> -> memref<1x77x512xf32, #tpu.memory_space<hbm>>
        %dma_wait3A_290 = tpu.memref_squeeze %dma_wait3A_289 : memref<1x77x512xf32, #tpu.memory_space<hbm>> -> memref<77x512xf32, #tpu.memory_space<hbm>>
        tpu.wait_dma2 semaphore(%arg17 : memref<!tpu.dma_semaphore, #tpu.memory_space<semaphore_mem>>) src(%arg11 : memref<77x512xf32, #tpu.memory_space<vmem>>) dst(%dma_wait3A_290 : memref<77x512xf32, #tpu.memory_space<hbm>>)
      } else {
      }
      %add3A_239 = arith.constant 1 : i32
      %add3A_240 = arith.addi %add3A_233, %add3A_239 : i32
      %dma_start3A_241 = arith.constant 0 : i32
      %dma_start3A_242 = arith.constant 0 : i32
      %dma_start3A_243 = tpu.memref_slice %arg11[%dma_start3A_241, %dma_start3A_242] : memref<77x512xf32, #tpu.memory_space<vmem>> -> memref<1x512xf32, #tpu.memory_space<vmem>>
      %dma_start3A_244 = arith.constant 0 : i32
      %dma_start3A_245 = tpu.memref_slice %arg8[%add3A_240, %dma_start3A_244] : memref<32x1xi32, #tpu.memory_space<vmem>> -> memref<1x1xi32, #tpu.memory_space<vmem>>
      %dma_start3A_246 = tpu.memref_squeeze %dma_start3A_245 : memref<1x1xi32, #tpu.memory_space<vmem>> -> memref<1xi32, #tpu.memory_space<vmem>>
      %dma_start3A_247 = arith.constant 0 : i32
      %dma_start3A_248 = arith.constant 0 : i32
      %dma_start3A_249 = tpu.memref_slice %arg6[%dma_start3A_247, %dma_start3A_248] : memref<49408x512xf32, #tpu.memory_space<hbm>> -> memref<49408x512xf32, #tpu.memory_space<hbm>>
      tpu.enqueue_indirect_dma source(%dma_start3A_249 : memref<49408x512xf32, #tpu.memory_space<hbm>>) target(%dma_start3A_243 : memref<1x512xf32, #tpu.memory_space<vmem>>) offsets(%dma_start3A_246 : memref<1xi32, #tpu.memory_space<vmem>>) semaphore(%arg14 : memref<!tpu.dma_semaphore, #tpu.memory_space<semaphore_mem>>)
      %dma_start3A_250 = arith.constant 1 : i32
      %dma_start3A_251 = arith.constant 0 : i32
      %dma_start3A_252 = tpu.memref_slice %arg11[%dma_start3A_250, %dma_start3A_251] : memref<77x512xf32, #tpu.memory_space<vmem>> -> memref<10x512xf32, #tpu.memory_space<vmem>>
      %dma_start3A_253 = arith.constant 0 : i32
      %dma_start3A_254 = tpu.memref_slice %arg9[%add3A_240, %dma_start3A_253] : memref<32x10xi32, #tpu.memory_space<vmem>> -> memref<1x10xi32, #tpu.memory_space<vmem>>
      %dma_start3A_255 = tpu.memref_squeeze %dma_start3A_254 : memref<1x10xi32, #tpu.memory_space<vmem>> -> memref<10xi32, #tpu.memory_space<vmem>>
      %dma_start3A_256 = arith.constant 0 : i32
      %dma_start3A_257 = arith.constant 0 : i32
      %dma_start3A_258 = tpu.memref_slice %arg5[%dma_start3A_256, %dma_start3A_257] : memref<50010x512xf32, #tpu.memory_space<hbm>> -> memref<50010x512xf32, #tpu.memory_space<hbm>>
      tpu.enqueue_indirect_dma source(%dma_start3A_258 : memref<50010x512xf32, #tpu.memory_space<hbm>>) target(%dma_start3A_252 : memref<10x512xf32, #tpu.memory_space<vmem>>) offsets(%dma_start3A_255 : memref<10xi32, #tpu.memory_space<vmem>>) semaphore(%arg14 : memref<!tpu.dma_semaphore, #tpu.memory_space<semaphore_mem>>)
      %dma_start3A_259 = arith.constant 11 : i32
      %dma_start3A_260 = arith.constant 0 : i32
      %dma_start3A_261 = tpu.memref_slice %arg11[%dma_start3A_259, %dma_start3A_260] : memref<77x512xf32, #tpu.memory_space<vmem>> -> memref<66x512xf32, #tpu.memory_space<vmem>>
      %dma_start3A_262 = arith.constant 0 : i32
      %dma_start3A_263 = tpu.memref_slice %arg10[%add3A_240, %dma_start3A_262] : memref<32x66xi32, #tpu.memory_space<vmem>> -> memref<1x66xi32, #tpu.memory_space<vmem>>
      %dma_start3A_264 = tpu.memref_squeeze %dma_start3A_263 : memref<1x66xi32, #tpu.memory_space<vmem>> -> memref<66xi32, #tpu.memory_space<vmem>>
      %dma_start3A_265 = arith.constant 0 : i32
      %dma_start3A_266 = arith.constant 0 : i32
      %dma_start3A_267 = tpu.memref_slice %arg6[%dma_start3A_265, %dma_start3A_266] : memref<49408x512xf32, #tpu.memory_space<hbm>> -> memref<49408x512xf32, #tpu.memory_space<hbm>>
      tpu.enqueue_indirect_dma source(%dma_start3A_267 : memref<49408x512xf32, #tpu.memory_space<hbm>>) target(%dma_start3A_261 : memref<66x512xf32, #tpu.memory_space<vmem>>) offsets(%dma_start3A_264 : memref<66xi32, #tpu.memory_space<vmem>>) semaphore(%arg14 : memref<!tpu.dma_semaphore, #tpu.memory_space<semaphore_mem>>)
      %dma_wait3A_268 = arith.constant 0 : i32
      %dma_wait3A_269 = arith.constant 0 : i32
      %dma_wait3A_270 = tpu.memref_slice %arg6[%dma_wait3A_268, %dma_wait3A_269] : memref<49408x512xf32, #tpu.memory_space<hbm>> -> memref<77x512xf32, #tpu.memory_space<hbm>>
      %dma_wait3A_271 = arith.constant 0 : i32
      %dma_wait3A_272 = arith.constant 0 : i32
      %dma_wait3A_273 = tpu.memref_slice %arg6[%dma_wait3A_271, %dma_wait3A_272] : memref<49408x512xf32, #tpu.memory_space<hbm>> -> memref<77x512xf32, #tpu.memory_space<hbm>>
      tpu.wait_dma2 semaphore(%arg16 : memref<!tpu.dma_semaphore, #tpu.memory_space<semaphore_mem>>) src(%dma_wait3A_273 : memref<77x512xf32, #tpu.memory_space<hbm>>) dst(%arg13 : memref<77x512xf32, #tpu.memory_space<vmem>>)
      %add3A_274 = arith.addi %mul3A_2, %add3A_233 : i32
      %dma_start3A_275 = arith.constant 0 : i32
      %dma_start3A_276 = arith.constant 0 : i32
      %dma_start3A_277 = tpu.memref_slice %arg7[%add3A_274, %dma_start3A_275, %dma_start3A_276] : memref<1024x77x512xf32, #tpu.memory_space<hbm>> -> memref<1x77x512xf32, #tpu.memory_space<hbm>>
      %dma_start3A_278 = tpu.memref_squeeze %dma_start3A_277 : memref<1x77x512xf32, #tpu.memory_space<hbm>> -> memref<77x512xf32, #tpu.memory_space<hbm>>
      %dma_start3A_279 = arith.constant 0 : i32
      %dma_start3A_280 = arith.constant 0 : i32
      %dma_start3A_281 = tpu.memref_slice %arg7[%add3A_274, %dma_start3A_279, %dma_start3A_280] : memref<1024x77x512xf32, #tpu.memory_space<hbm>> -> memref<1x77x512xf32, #tpu.memory_space<hbm>>
      %dma_start3A_282 = tpu.memref_squeeze %dma_start3A_281 : memref<1x77x512xf32, #tpu.memory_space<hbm>> -> memref<77x512xf32, #tpu.memory_space<hbm>>
      tpu.enqueue_dma source(%arg13 : memref<77x512xf32, #tpu.memory_space<vmem>>) target(%dma_start3A_282 : memref<77x512xf32, #tpu.memory_space<hbm>>) target_semaphore(%arg19 : memref<!tpu.dma_semaphore, #tpu.memory_space<semaphore_mem>>)
    }
    %scan3A_36 = arith.constant 10 : i32
    %dma_wait3A = arith.constant 0 : i32
    %dma_wait3A_37 = arith.constant 0 : i32
    %dma_wait3A_38 = tpu.memref_slice %arg6[%dma_wait3A, %dma_wait3A_37] : memref<49408x512xf32, #tpu.memory_space<hbm>> -> memref<77x512xf32, #tpu.memory_space<hbm>>
    %dma_wait3A_39 = arith.constant 0 : i32
    %dma_wait3A_40 = arith.constant 0 : i32
    %dma_wait3A_41 = tpu.memref_slice %arg6[%dma_wait3A_39, %dma_wait3A_40] : memref<49408x512xf32, #tpu.memory_space<hbm>> -> memref<77x512xf32, #tpu.memory_space<hbm>>
    tpu.wait_dma2 semaphore(%arg14 : memref<!tpu.dma_semaphore, #tpu.memory_space<semaphore_mem>>) src(%dma_wait3A_41 : memref<77x512xf32, #tpu.memory_space<hbm>>) dst(%arg11 : memref<77x512xf32, #tpu.memory_space<vmem>>)
    %add3A_42 = arith.constant 30 : i32
    %add3A_43 = arith.addi %mul3A_2, %add3A_42 : i32
    %dma_start3A_44 = arith.constant 0 : i32
    %dma_start3A_45 = arith.constant 0 : i32
    %dma_start3A_46 = tpu.memref_slice %arg7[%add3A_43, %dma_start3A_44, %dma_start3A_45] : memref<1024x77x512xf32, #tpu.memory_space<hbm>> -> memref<1x77x512xf32, #tpu.memory_space<hbm>>
    %dma_start3A_47 = tpu.memref_squeeze %dma_start3A_46 : memref<1x77x512xf32, #tpu.memory_space<hbm>> -> memref<77x512xf32, #tpu.memory_space<hbm>>
    %dma_start3A_48 = arith.constant 0 : i32
    %dma_start3A_49 = arith.constant 0 : i32
    %dma_start3A_50 = tpu.memref_slice %arg7[%add3A_43, %dma_start3A_48, %dma_start3A_49] : memref<1024x77x512xf32, #tpu.memory_space<hbm>> -> memref<1x77x512xf32, #tpu.memory_space<hbm>>
    %dma_start3A_51 = tpu.memref_squeeze %dma_start3A_50 : memref<1x77x512xf32, #tpu.memory_space<hbm>> -> memref<77x512xf32, #tpu.memory_space<hbm>>
    tpu.enqueue_dma source(%arg11 : memref<77x512xf32, #tpu.memory_space<vmem>>) target(%dma_start3A_51 : memref<77x512xf32, #tpu.memory_space<hbm>>) target_semaphore(%arg17 : memref<!tpu.dma_semaphore, #tpu.memory_space<semaphore_mem>>)
    %dma_wait3A_52 = arith.constant 0 : i32
    %dma_wait3A_53 = arith.constant 0 : i32
    %dma_wait3A_54 = tpu.memref_slice %arg7[%mul3A_2, %dma_wait3A_52, %dma_wait3A_53] : memref<1024x77x512xf32, #tpu.memory_space<hbm>> -> memref<1x77x512xf32, #tpu.memory_space<hbm>>
    %dma_wait3A_55 = tpu.memref_squeeze %dma_wait3A_54 : memref<1x77x512xf32, #tpu.memory_space<hbm>> -> memref<77x512xf32, #tpu.memory_space<hbm>>
    %dma_wait3A_56 = arith.constant 0 : i32
    %dma_wait3A_57 = arith.constant 0 : i32
    %dma_wait3A_58 = tpu.memref_slice %arg7[%mul3A_2, %dma_wait3A_56, %dma_wait3A_57] : memref<1024x77x512xf32, #tpu.memory_space<hbm>> -> memref<1x77x512xf32, #tpu.memory_space<hbm>>
    %dma_wait3A_59 = tpu.memref_squeeze %dma_wait3A_58 : memref<1x77x512xf32, #tpu.memory_space<hbm>> -> memref<77x512xf32, #tpu.memory_space<hbm>>
    tpu.wait_dma2 semaphore(%arg18 : memref<!tpu.dma_semaphore, #tpu.memory_space<semaphore_mem>>) src(%arg12 : memref<77x512xf32, #tpu.memory_space<vmem>>) dst(%dma_wait3A_59 : memref<77x512xf32, #tpu.memory_space<hbm>>)
    %dma_start3A_60 = arith.constant 31 : i32
    %dma_start3A_61 = arith.constant 0 : i32
    %dma_start3A_62 = arith.constant 0 : i32
    %dma_start3A_63 = tpu.memref_slice %arg12[%dma_start3A_61, %dma_start3A_62] : memref<77x512xf32, #tpu.memory_space<vmem>> -> memref<1x512xf32, #tpu.memory_space<vmem>>
    %dma_start3A_64 = arith.constant 0 : i32
    %dma_start3A_65 = tpu.memref_slice %arg8[%dma_start3A_60, %dma_start3A_64] : memref<32x1xi32, #tpu.memory_space<vmem>> -> memref<1x1xi32, #tpu.memory_space<vmem>>
    %dma_start3A_66 = tpu.memref_squeeze %dma_start3A_65 : memref<1x1xi32, #tpu.memory_space<vmem>> -> memref<1xi32, #tpu.memory_space<vmem>>
    %dma_start3A_67 = arith.constant 0 : i32
    %dma_start3A_68 = arith.constant 0 : i32
    %dma_start3A_69 = tpu.memref_slice %arg6[%dma_start3A_67, %dma_start3A_68] : memref<49408x512xf32, #tpu.memory_space<hbm>> -> memref<49408x512xf32, #tpu.memory_space<hbm>>
    tpu.enqueue_indirect_dma source(%dma_start3A_69 : memref<49408x512xf32, #tpu.memory_space<hbm>>) target(%dma_start3A_63 : memref<1x512xf32, #tpu.memory_space<vmem>>) offsets(%dma_start3A_66 : memref<1xi32, #tpu.memory_space<vmem>>) semaphore(%arg15 : memref<!tpu.dma_semaphore, #tpu.memory_space<semaphore_mem>>)
    %dma_start3A_70 = arith.constant 31 : i32
    %dma_start3A_71 = arith.constant 1 : i32
    %dma_start3A_72 = arith.constant 0 : i32
    %dma_start3A_73 = tpu.memref_slice %arg12[%dma_start3A_71, %dma_start3A_72] : memref<77x512xf32, #tpu.memory_space<vmem>> -> memref<10x512xf32, #tpu.memory_space<vmem>>
    %dma_start3A_74 = arith.constant 0 : i32
    %dma_start3A_75 = tpu.memref_slice %arg9[%dma_start3A_70, %dma_start3A_74] : memref<32x10xi32, #tpu.memory_space<vmem>> -> memref<1x10xi32, #tpu.memory_space<vmem>>
    %dma_start3A_76 = tpu.memref_squeeze %dma_start3A_75 : memref<1x10xi32, #tpu.memory_space<vmem>> -> memref<10xi32, #tpu.memory_space<vmem>>
    %dma_start3A_77 = arith.constant 0 : i32
    %dma_start3A_78 = arith.constant 0 : i32
    %dma_start3A_79 = tpu.memref_slice %arg5[%dma_start3A_77, %dma_start3A_78] : memref<50010x512xf32, #tpu.memory_space<hbm>> -> memref<50010x512xf32, #tpu.memory_space<hbm>>
    tpu.enqueue_indirect_dma source(%dma_start3A_79 : memref<50010x512xf32, #tpu.memory_space<hbm>>) target(%dma_start3A_73 : memref<10x512xf32, #tpu.memory_space<vmem>>) offsets(%dma_start3A_76 : memref<10xi32, #tpu.memory_space<vmem>>) semaphore(%arg15 : memref<!tpu.dma_semaphore, #tpu.memory_space<semaphore_mem>>)
    %dma_start3A_80 = arith.constant 31 : i32
    %dma_start3A_81 = arith.constant 11 : i32
    %dma_start3A_82 = arith.constant 0 : i32
    %dma_start3A_83 = tpu.memref_slice %arg12[%dma_start3A_81, %dma_start3A_82] : memref<77x512xf32, #tpu.memory_space<vmem>> -> memref<66x512xf32, #tpu.memory_space<vmem>>
    %dma_start3A_84 = arith.constant 0 : i32
    %dma_start3A_85 = tpu.memref_slice %arg10[%dma_start3A_80, %dma_start3A_84] : memref<32x66xi32, #tpu.memory_space<vmem>> -> memref<1x66xi32, #tpu.memory_space<vmem>>
    %dma_start3A_86 = tpu.memref_squeeze %dma_start3A_85 : memref<1x66xi32, #tpu.memory_space<vmem>> -> memref<66xi32, #tpu.memory_space<vmem>>
    %dma_start3A_87 = arith.constant 0 : i32
    %dma_start3A_88 = arith.constant 0 : i32
    %dma_start3A_89 = tpu.memref_slice %arg6[%dma_start3A_87, %dma_start3A_88] : memref<49408x512xf32, #tpu.memory_space<hbm>> -> memref<49408x512xf32, #tpu.memory_space<hbm>>
    tpu.enqueue_indirect_dma source(%dma_start3A_89 : memref<49408x512xf32, #tpu.memory_space<hbm>>) target(%dma_start3A_83 : memref<66x512xf32, #tpu.memory_space<vmem>>) offsets(%dma_start3A_86 : memref<66xi32, #tpu.memory_space<vmem>>) semaphore(%arg15 : memref<!tpu.dma_semaphore, #tpu.memory_space<semaphore_mem>>)
    %dma_wait3A_90 = arith.constant 0 : i32
    %dma_wait3A_91 = arith.constant 0 : i32
    %dma_wait3A_92 = tpu.memref_slice %arg6[%dma_wait3A_90, %dma_wait3A_91] : memref<49408x512xf32, #tpu.memory_space<hbm>> -> memref<77x512xf32, #tpu.memory_space<hbm>>
    %dma_wait3A_93 = arith.constant 0 : i32
    %dma_wait3A_94 = arith.constant 0 : i32
    %dma_wait3A_95 = tpu.memref_slice %arg6[%dma_wait3A_93, %dma_wait3A_94] : memref<49408x512xf32, #tpu.memory_space<hbm>> -> memref<77x512xf32, #tpu.memory_space<hbm>>
    tpu.wait_dma2 semaphore(%arg15 : memref<!tpu.dma_semaphore, #tpu.memory_space<semaphore_mem>>) src(%dma_wait3A_95 : memref<77x512xf32, #tpu.memory_space<hbm>>) dst(%arg12 : memref<77x512xf32, #tpu.memory_space<vmem>>)
    %add3A_96 = arith.constant 31 : i32
    %add3A_97 = arith.addi %mul3A_2, %add3A_96 : i32
    %dma_start3A_98 = arith.constant 0 : i32
    %dma_start3A_99 = arith.constant 0 : i32
    %dma_start3A_100 = tpu.memref_slice %arg7[%add3A_97, %dma_start3A_98, %dma_start3A_99] : memref<1024x77x512xf32, #tpu.memory_space<hbm>> -> memref<1x77x512xf32, #tpu.memory_space<hbm>>
    %dma_start3A_101 = tpu.memref_squeeze %dma_start3A_100 : memref<1x77x512xf32, #tpu.memory_space<hbm>> -> memref<77x512xf32, #tpu.memory_space<hbm>>
    %dma_start3A_102 = arith.constant 0 : i32
    %dma_start3A_103 = arith.constant 0 : i32
    %dma_start3A_104 = tpu.memref_slice %arg7[%add3A_97, %dma_start3A_102, %dma_start3A_103] : memref<1024x77x512xf32, #tpu.memory_space<hbm>> -> memref<1x77x512xf32, #tpu.memory_space<hbm>>
    %dma_start3A_105 = tpu.memref_squeeze %dma_start3A_104 : memref<1x77x512xf32, #tpu.memory_space<hbm>> -> memref<77x512xf32, #tpu.memory_space<hbm>>
    tpu.enqueue_dma source(%arg12 : memref<77x512xf32, #tpu.memory_space<vmem>>) target(%dma_start3A_105 : memref<77x512xf32, #tpu.memory_space<hbm>>) target_semaphore(%arg18 : memref<!tpu.dma_semaphore, #tpu.memory_space<semaphore_mem>>)
    %dma_wait3A_106 = arith.constant 0 : i32
    %dma_wait3A_107 = arith.constant 0 : i32
    %dma_wait3A_108 = tpu.memref_slice %arg7[%mul3A_2, %dma_wait3A_106, %dma_wait3A_107] : memref<1024x77x512xf32, #tpu.memory_space<hbm>> -> memref<1x77x512xf32, #tpu.memory_space<hbm>>
    %dma_wait3A_109 = tpu.memref_squeeze %dma_wait3A_108 : memref<1x77x512xf32, #tpu.memory_space<hbm>> -> memref<77x512xf32, #tpu.memory_space<hbm>>
    %dma_wait3A_110 = arith.constant 0 : i32
    %dma_wait3A_111 = arith.constant 0 : i32
    %dma_wait3A_112 = tpu.memref_slice %arg7[%mul3A_2, %dma_wait3A_110, %dma_wait3A_111] : memref<1024x77x512xf32, #tpu.memory_space<hbm>> -> memref<1x77x512xf32, #tpu.memory_space<hbm>>
    %dma_wait3A_113 = tpu.memref_squeeze %dma_wait3A_112 : memref<1x77x512xf32, #tpu.memory_space<hbm>> -> memref<77x512xf32, #tpu.memory_space<hbm>>
    tpu.wait_dma2 semaphore(%arg19 : memref<!tpu.dma_semaphore, #tpu.memory_space<semaphore_mem>>) src(%arg13 : memref<77x512xf32, #tpu.memory_space<vmem>>) dst(%dma_wait3A_113 : memref<77x512xf32, #tpu.memory_space<hbm>>)
    %dma_wait3A_114 = arith.constant 0 : i32
    %dma_wait3A_115 = arith.constant 0 : i32
    %dma_wait3A_116 = tpu.memref_slice %arg7[%mul3A_2, %dma_wait3A_114, %dma_wait3A_115] : memref<1024x77x512xf32, #tpu.memory_space<hbm>> -> memref<1x77x512xf32, #tpu.memory_space<hbm>>
    %dma_wait3A_117 = tpu.memref_squeeze %dma_wait3A_116 : memref<1x77x512xf32, #tpu.memory_space<hbm>> -> memref<77x512xf32, #tpu.memory_space<hbm>>
    %dma_wait3A_118 = arith.constant 0 : i32
    %dma_wait3A_119 = arith.constant 0 : i32
    %dma_wait3A_120 = tpu.memref_slice %arg7[%mul3A_2, %dma_wait3A_118, %dma_wait3A_119] : memref<1024x77x512xf32, #tpu.memory_space<hbm>> -> memref<1x77x512xf32, #tpu.memory_space<hbm>>
    %dma_wait3A_121 = tpu.memref_squeeze %dma_wait3A_120 : memref<1x77x512xf32, #tpu.memory_space<hbm>> -> memref<77x512xf32, #tpu.memory_space<hbm>>
    tpu.wait_dma2 semaphore(%arg17 : memref<!tpu.dma_semaphore, #tpu.memory_space<semaphore_mem>>) src(%arg11 : memref<77x512xf32, #tpu.memory_space<vmem>>) dst(%dma_wait3A_121 : memref<77x512xf32, #tpu.memory_space<hbm>>)
    %dma_wait3A_122 = arith.constant 0 : i32
    %dma_wait3A_123 = arith.constant 0 : i32
    %dma_wait3A_124 = tpu.memref_slice %arg7[%mul3A_2, %dma_wait3A_122, %dma_wait3A_123] : memref<1024x77x512xf32, #tpu.memory_space<hbm>> -> memref<1x77x512xf32, #tpu.memory_space<hbm>>
    %dma_wait3A_125 = tpu.memref_squeeze %dma_wait3A_124 : memref<1x77x512xf32, #tpu.memory_space<hbm>> -> memref<77x512xf32, #tpu.memory_space<hbm>>
    %dma_wait3A_126 = arith.constant 0 : i32
    %dma_wait3A_127 = arith.constant 0 : i32
    %dma_wait3A_128 = tpu.memref_slice %arg7[%mul3A_2, %dma_wait3A_126, %dma_wait3A_127] : memref<1024x77x512xf32, #tpu.memory_space<hbm>> -> memref<1x77x512xf32, #tpu.memory_space<hbm>>
    %dma_wait3A_129 = tpu.memref_squeeze %dma_wait3A_128 : memref<1x77x512xf32, #tpu.memory_space<hbm>> -> memref<77x512xf32, #tpu.memory_space<hbm>>
    tpu.wait_dma2 semaphore(%arg18 : memref<!tpu.dma_semaphore, #tpu.memory_space<semaphore_mem>>) src(%arg12 : memref<77x512xf32, #tpu.memory_space<vmem>>) dst(%dma_wait3A_129 : memref<77x512xf32, #tpu.memory_space<hbm>>)
    return
  }
}

</mosaic_0001>

<sc_bundles>
// kernel: kernel.3.cloned.1.call-start
scs
__scs_entry_jumppad:
0x0: {  	(pc) =	sbr.rel $0x88, $3  }
0x1: {  	(tag) =	ssettag $0x0;
	lr =	simm.s32 $0x1  }
0x2: {  	[smem:$0x3F9E] =	sst lr;
	_ =	strace $0xD0000000  }
0x3: {  	_ = 	snop  }
0x4: {  	_ = 	snop  }
0x5: {  	_ = 	snop  }
0x6: {  	_ = 	snop  }
0x7: {  	_ = 	snop  }
__scs_overlays_trampoline_lowered:
0x8: {  	[smem:$0x3FAD] =	sst s0  }
0x9: {  	[smem:$0x3FAE] =	sst s1  }
0xa: {  	[smem:$0x3FAF] =	sst s2  }
0xb: {  	[smem:$0x3FB0] =	sst s3  }
0xc: {  	[smem:$0x3FB1] =	sst s4  }
0xd: {  	[smem:$0x3FB2] =	sst s5  }
0xe: {  	[smem:$0x3FB3] =	sst s6  }
0xf: {  	[smem:$0x3FB4] =	sst s7  }
0x10: {  	[smem:$0x3FB5] =	sst s8  }
0x11: {  	[smem:$0x3FB6] =	sst s9;
	s0 =	simm.s32 @!p0 $0x0  }
0x12: {  	s1 =	sld [smem:$0x3F9C];
	s0 =	simm.s32 @p0 $0x1  }
0x13: {  	[smem:$0x3FB7] =	sst s0;
	s0 =	simm.s32 @!p1 $0x0  }
0x14: {  	s2 =	sld [smem:$0x3F9B];
	s0 =	simm.s32 @p1 $0x1  }
0x15: {  	[smem:$0x3FB8] =	sst s0;
	s0 =	simm.s32 @!p2 $0x0  }
0x16: {  	s3 =	sld [smem:$0x3FDB];
	s0 =	simm.s32 @p2 $0x1  }
0x17: {  	s4 =	simm.s32 $0x1BF5;
	[smem:$0x3FBA] =	sst s0  }
0x18: {  	s0 =	sld [smem:$0x3F9D];
	_ =	swait.ge [sflag:s4], $0x0  }
0x19: {  	s7 =	sld [smem:$0x3F9E]  }
0x1a: {  	s8 =	sadd.s32 $0xFFFFE003, lr  }
0x1b: {  	s9 =	sadd.s32 $0xFFFFFEF7, lr;
	s5 =	simm.s32 $0xFFFFFFFF;
	p2 =	slt.u32 s8, $0xFFFFF086  }
0x1c: {  	p1 =	slt.u32 s9, $0xF7A;
	s5 =	simm.s32 @!p2 $0x0  }
0x1d: {  	s5 =	simm.s32 @p1 $0x1;
	p0 =	seq.s32 s7, s2  }
0x1e: {  	s7 =	smul.u32 @!p0 $0xF7A, s2;
	p2 =	seq.s32 @!p0 s5, $0x0  }
0x1f: {  	s9 =	smul.u32 $0xF7A, s1;
	s8 =	simm.s32 @!p0 $0x1BF5;
	p2 =	por !p2, p0  }
0x20: {  	[sflag:s8] =	ssyncset.s32 @!p0 $0xFFFFF086;
	s6 =	sadd.s32 @!p0 s3, s7;
	s7 =	simm.s32 @!p0 $0x108  }
0x21: {  	s3 =	sadd.s32 s3, s9;
	s6 =	sadd.s32 @!p0 $0x88, s6;
	s7 =	simm.s32 @p2 $0x1082  }
0x22: {  	[simem:s7], [sflag:s8] =	dma.local @!p0 [hbm:s6], $0xF7A  }
0x23: {  	s9 =	sor.u32 $0xD0000000, s2;
	s6 =	simm.s32 $0x108;
	_ =	swait.ge @!p0 [sflag:s8], $0x0  }
0x24: {  	s3 =	sadd.s32 $0x88, s3;
	s6 =	simm.s32 @!p1 $0x1082;
	[sflag:s4] =	ssyncset.s32 $0xFFFFF086  }
0x25: {  	[simem:s6], [sflag:s4] =	dma.local [hbm:s3], $0xF7A  }
0x26: {  	[smem:$0x3F9E] =	sst s1;
	(tag) =	ssettag s2;
	_ =	strace s9  }
0x27: {  	s1 =	sld [smem:$0x3FAE]  }
0x28: {  	s2 =	sld [smem:$0x3FAF]  }
0x29: {  	s4 =	sld [smem:$0x3FB1]  }
0x2a: {  	p0 =	seq.s32 s5, $0x0;
	s5 =	sld [smem:$0x3FB2]  }
0x2b: {  	s6 =	sld [smem:$0x3FB3]  }
0x2c: {  	s7 =	sld [smem:$0x3FB4]  }
0x2d: {  	s3 =	simm.s32 $0x108;
	s8 =	sld [smem:$0x3FB5]  }
0x2e: {  	s3 =	simm.s32 @!p0 $0x1082;
	s9 =	sld [smem:$0x3FB6]  }
0x2f: {  	lr =	sadd.s32 s0, s3;
	s0 =	sld [smem:$0x3FAD]  }
0x30: {  	s3 =	sld [smem:$0x3FB0]  }
0x31: {  	[smem:$0x3FB9] =	sst s10  }
0x32: {  	s10 =	sld [smem:$0x3FB7];
	_ =	sdelay $0x3  }
0x33: {  	p0 =	seq.s32 s10, $0x1;
	s10 =	sld [smem:$0x3FB9];
	_ =	sdelay $0x3  }
0x34: {  	[smem:$0x3FB9] =	sst s10  }
0x35: {  	s10 =	sld [smem:$0x3FB8];
	_ =	sdelay $0x3  }
0x36: {  	p1 =	seq.s32 s10, $0x1;
	s10 =	sld [smem:$0x3FB9];
	_ =	sdelay $0x3  }
0x37: {  	[smem:$0x3FB9] =	sst s10  }
0x38: {  	s10 =	sld [smem:$0x3FBA]  }
0x39: {  	_ = 	snop;
	(pc) =	sbr.ind lr, $3  }
0x3a: {  	_ = 	snop  }
0x3b: {  	_ = 	snop  }
0x3c: {  	p2 =	seq.s32 s10, $0x1;
	s10 =	sld [smem:$0x3FB9]  }
0x3d: {  	_ =	shalt  }
0x3e: {  	_ =	shalt  }
0x3f: {  	_ =	shalt  }
0x40: {  	_ =	shalt  }
0x41: {  	_ =	shalt  }
0x42: {  	_ =	shalt  }
0x43: {  	_ =	shalt  }
0x44: {  	_ =	shalt  }
0x45: {  	_ =	shalt  }
0x46: {  	_ =	shalt  }
0x47: {  	_ =	shalt  }
0x48: {  	_ =	shalt  }
0x49: {  	_ =	shalt  }
0x4a: {  	_ =	shalt  }
0x4b: {  	_ =	shalt  }
0x4c: {  	_ =	shalt  }
0x4d: {  	_ =	shalt  }
0x4e: {  	_ =	shalt  }
0x4f: {  	_ =	shalt  }
0x50: {  	_ =	shalt  }
0x51: {  	_ =	shalt  }
0x52: {  	_ =	shalt  }
0x53: {  	_ =	shalt  }
0x54: {  	_ =	shalt  }
0x55: {  	_ =	shalt  }
0x56: {  	_ =	shalt  }
0x57: {  	_ =	shalt  }
0x58: {  	_ =	shalt  }
0x59: {  	_ =	shalt  }
0x5a: {  	_ =	shalt  }
0x5b: {  	_ =	shalt  }
0x5c: {  	_ =	shalt  }
0x5d: {  	_ =	shalt  }
0x5e: {  	_ =	shalt  }
0x5f: {  	_ =	shalt  }
0x60: {  	_ =	shalt  }
0x61: {  	_ =	shalt  }
0x62: {  	_ =	shalt  }
0x63: {  	_ =	shalt  }
0x64: {  	_ =	shalt  }
0x65: {  	_ =	shalt  }
0x66: {  	_ =	shalt  }
0x67: {  	_ =	shalt  }
0x68: {  	_ =	shalt  }
0x69: {  	_ =	shalt  }
0x6a: {  	_ =	shalt  }
0x6b: {  	_ =	shalt  }
0x6c: {  	_ =	shalt  }
0x6d: {  	_ =	shalt  }
0x6e: {  	_ =	shalt  }
0x6f: {  	_ =	shalt  }
0x70: {  	_ =	shalt  }
0x71: {  	_ =	shalt  }
0x72: {  	_ =	shalt  }
0x73: {  	_ =	shalt  }
0x74: {  	_ =	shalt  }
0x75: {  	_ =	shalt  }
0x76: {  	_ =	shalt  }
0x77: {  	_ =	shalt  }
0x78: {  	_ =	shalt  }
0x79: {  	_ =	shalt  }
0x7a: {  	_ =	shalt  }
0x7b: {  	_ =	shalt  }
0x7c: {  	_ =	shalt  }
0x7d: {  	_ =	shalt  }
0x7e: {  	_ =	shalt  }
0x7f: {  	_ =	shalt  }
0x80: {  	_ =	shalt  }
0x81: {  	_ =	shalt  }
0x82: {  	_ =	shalt  }
0x83: {  	_ =	shalt  }
0x84: {  	_ =	shalt  }
0x85: {  	_ =	shalt  }
0x86: {  	_ =	shalt  }
0x87: {  	_ =	shalt  }
.Lfunc_end0:
.L_simem_size_0:
called_computation.2_lowered:
.L_overlay_start_0:
0x88: {  	s2 =	sld [smem:$0x3FD9]  }
0x89: {  	s3 =	sld [smem:$0x3FFE];
	_ =	sdelay $0x1  }
0x8a: {  	s1 =	srdreg.scid  }
0x8b: {  	s0 =	sand.u32 $0x1, s1  }
0x8c: {  	s17 =	sshll.u32 s0, $0xA;
	s2 =	sadd.s32 s3, s2  }
0x8d: {  	s2 =	sadd.s32 s2, s17  }
0x8e: {  	[smem:$0x3FC5] =	sst s2  }
0x8f: {  	_ = 	snop  }
0x90: {  	s2 =	sld [smem:$0x3FD0];
	(tm) =	ssettm $0x1  }
0x91: {  	s18 =	sld [smem:$0x3FFB];
	_ =	sdelay $0x3  }
0x92: {  	_ =	strace s18  }
0x93: {  	s3 =	sld [smem:$0x3FFC];
	_ =	sdelay $0x3  }
0x94: {  	_ =	strace s3  }
0x95: {  	s3 =	sld [smem:$0x3FFD];
	_ =	sdelay $0x3  }
0x96: {  	_ =	strace s3  }
0x97: {  	_ =	strace $0x8FFFFFFF  }
0x98: {  	s19 =	sld [smem:$0x3FDB];
	_ =	sdelay $0x1  }
0x99: {  	s4 =	simm.s32 $_scs_section_size  }
0x9a: {  	s5 =	simm.s32 $_size__tile_overlayer_lowered;
	s6 =	simm.s32 $_tile_overlayer_lowered  }
0x9b: {  	s22 =	simm.s32 $0x1BFF;
	s21 =	sshll.u32 s6, $0x1;
	s3 =	sadd.s32 s4, s19  }
0x9c: {  	s7 =	simm.s32 $0x0;
	s20 =	sshll.u32 s5, $0x1;
	s5 =	sadd.s32 s21, s3  }
0x9d: {  	[timem:s7], [sflag:s22] =	dma.local [hbm:s5], s20  }
0x9e: {  	_ =	swait.ge [sflag:s22], s20  }
0x9f: {  	s4 =	ssub.s32 $0x0, s20;
	[sflag:s22] =	ssyncset.done $0x0  }
0xa0: {  	[sflag:s22] =	ssyncadd.s32 s4;
	_ =	sdelay $0x1  }
0xa1: {  	s23 =	simm.s32 $0x1B8B  }
0xa2: {  	_ =	swait.ge [sflag:s23], $0x1  }
0xa3: {  	[sflag:s23] =	ssyncset.done $0x0  }
0xa4: {  	s25 =	simm.s32 $0x1B8E;
	s24 =	sld [smem:$0x3FFE];
	[sflag:s23] =	ssyncadd.s32 $0xFFFFFFFF  }
0xa5: {  	s26 =	simm.s32 $execute0_lowered;
	[smem:$0x3FD2] =	sst s25  }
0xa6: {  	s5 =	sshll.u32 s26, $0x1;
	_ =	strace $0x80000049;
	[dreg:$0x1] =	wrdreg $0xFFFFFFFF  }
0xa7: {  	s28 =	simm.s32 $_size_execute0_lowered;
	s3 =	sadd.s32 s3, s5;
	[dreg:$0x0] =	wrdreg $0x0  }
0xa8: {  	s5 =	sshll.u32 s28, $0x1;
	[dreg:$0x2] =	wrdreg s3  }
0xa9: {  	[dreg:$0x3] =	wrdreg s5  }
0xaa: {  	[dreg:$0x4] =	wrdreg $0xC0  }
0xab: {  	_ =	task [dreg:s7], $0x5FFFF  }
0xac: {  	[dreg:$0x1] =	wrdreg $0xFFFFFFFF  }
0xad: {  	[dreg:$0x0] =	wrdreg $0x60  }
0xae: {  	[dreg:$0x2] =	wrdreg s24  }
0xaf: {  	[dreg:$0x3] =	wrdreg s2  }
0xb0: {  	[dreg:$0x4] =	wrdreg $0x9  }
0xb1: {  	_ =	task.clear_ibuf [dreg:s7], $0x5FFFF;
	_ =	strace $0x90000049  }
0xb2: {  	s29 =	simm.s32 $0x9;
	_ =	strace $0x8000004B  }
0xb3: {  	_ =	swait.ge [sflag:s29], $0x1  }
0xb4: {  	[sflag:s29] =	ssyncadd.s32 $0xFFFFFFFF  }
0xb5: {  	_ =	strace $0x9000004B  }
0xb6: {  	_ =	sfence  }
0xb7: {  	s30 =	sld [smem:$0x0];
	_ =	sdelay $0x2  }
0xb8: {  	s31 =	sshll.u32 s1, $0xD;
	s1 =	sshrl.u32 s1, $0x2  }
0xb9: {  	s3 =	sand.u32 $0x4000, s31;
	s1 =	sadd.s32 s1, s30  }
0xba: {  	s0 =	sor.u32 s3, s0;
	s1 =	sshll.u32 s1, $0x11  }
0xbb: {  	s0 =	sor.u32 s1, s0  }
0xbc: {  	s0 =	sadd.s32 $0x8F2B, s0  }
0xbd: {  	[sflag:s0] =	ssyncadd.remote.s32 $0x1  }
0xbe: {  	_ =	sfence.sel $0xFFFF  }
0xbf: {  	[dreg:$0x0] =	wrdreg $0xFFFFFFFF;
	(pc) =	sbr.abs _section_cstart, $3  }
0xc0: {  	[dreg:$0x1] =	wrdreg $0xFFFFFFFF  }
0xc1: {  	_ =	task.clear_ibuf [dreg:s7], $0x2FFFF;
	_ =	strace $0x9FFFFFFF  }
0xc2: {  	(tm) =	ssettm $0x7FFFFFFF  }
0xc3: {  	_ =	shalt  }
tec
execute0_lowered:
.L_overlay_start_1:
0x0: {  	(tag) =	ssettag $0x1  }
0x1: {  	s0 =	srdreg.scid  }
0x2: {  	s1 =	rddreg [dreg:$0x0];
	s12 =	stileid.u32  }
0x3: {  	s5 =	rddreg [dreg:$0x1];
	s2 =	simm.s32 $0x0;
	s15 =	simm.s32 $0x7  }
0x4: {  	s18 =	simm.s32 $0x1;
	s28 =	simm.s32 $0xA800;
	s30 =	simm.s32 $0xBC00  }
0x5: {  	s29 =	simm.s32 $0x15600;
	s31 =	simm.s32 $0x2;
	s0 =	sand.u32 $0x1, s0  }
0x6: {  	s3 =	sshll.u32 s12, $0x6;
	[smem:$0x7FF] =	sst s2;
	s22 =	smul.u32 $0x4D000, s12  }
0x7: {  	s4 =	sshll.u32 s0, $0x5;
	_ =	strace $0x8000004A;
	s10 =	ssub.s32 $0x2, s0  }
0x8: {  	s0 =	smul.u32 $0x26800, s0;
	s6 =	sor.u32 s4, s3;
	s19 =	sshrl.u32 s10, $0x1  }
0x9: {  	s24 =	sadd.s32 s22, s5;
	s22 =	simm.s32 $0x42;
	s4 =	smul.u32 $0x9, s6  }
0xa: {  	s3 =	sshll.u32 s6, $0x1;
	s7 =	sadd.s32 s6, s1;
	s11 =	smul.u32 $0x9A00, s6  }
0xb: {  	s6 =	smul.u32 $0x1340, s6;
	s0 =	sadd.s32 s0, s24;
	s24 =	simm.s32 $0x14200  }
0xc: {  	s8 =	sadd.s32 s3, s1;
	s3 =	sadd.s32 $0x308200, s1;
	s7 =	sadd.s32 $0x307E00, s7  }
0xd: {  	s16 =	sadd.s32 $0x6040, s0;
	s0 =	simm.s32 $0x4;
	s9 =	sadd.s32 s4, s1  }
0xe: {  	s4 =	sadd.s32 $0x1200, s1;
	s1 =	ssub.s32 s10, s19;
	[dreg:$0x3] =	wrdreg s7  }
0xf: {  	s20 =	sadd.s32 $0x307600, s8;
	s21 =	sshrl.u32 s11, $0x3;
	s11 =	sadd.s32 s5, s6  }
0x10: {  	s19 =	simm.s32 $0xC00;
	s6 =	simm.s32 $0x6;
	[dreg:$0x4] =	wrdreg s20  }
0x11: {  	s9 =	sadd.s32 $0x305200, s9;
	s7 =	sadd.s32 s5, s21;
	s1 =	smax.u32 s1, $0x1  }
0x12: {  	s25 =	sadd.s32 $0x1340, s11;
	s26 =	sadd.s32 $0x2680, s11;
	[dreg:$0x5] =	wrdreg s9  }
0x13: {  	s20 =	simm.s32 $0xA;
	s21 =	simm.s32 $0xE00;
	[dreg:$0x8] =	wrdreg s1  }
0x14: {  	s5 =	simm.s32 $0x5;
	s23 =	sadd.s32 $0x24180, s7;
	[dreg:$0x9] =	wrdreg s25  }
0x15: {  	s7 =	sadd.s32 $0x254C0, s7;
	[dreg:$0xa] =	wrdreg s26;
	s25 =	simm.s32 $0xA600  }
0x16: {  	s1 =	simm.s32 $0x14000;
	s26 =	simm.s32 $0x3;
	[dreg:$0x6] =	wrdreg s23  }
0x17: {  	[dreg:$0x7] =	wrdreg s7;
	s23 =	simm.s32 $0x2200;
	s7 =	simm.s32 $0x0  }
.LBB2_1:
0x18: {  	s8 =	rddreg [dreg:$0x3]  }
0x19: {  	[tilespmem:s2], [sflag:$0x7] =	stream.linear.gather [hbm4b:s8+s2], $0x100, $0x38;
	[tilespmem:$0x1DA00] =	vst v63  }
0x1a: {  	_ =	swait.ge [sflag:s15], $0x100  }
0x1b: {  	[sflag:s15] =	ssyncset.done $0x0  }
0x1c: {  	s9 =	simm.s32 $0x100;
	s14 =	rddreg [dreg:$0x4];
	[sflag:s15] =	ssyncadd.s32 $0xFFFFFF00  }
0x1d: {  	[tilespmem:s9], [sflag:$0x7] =	stream.linear.gather [hbm4b:s14+s2], $0x200, $0x38;
	[tilespmem:$0x1DA00] =	vst v63  }
0x1e: {  	_ =	swait.ge [sflag:s15], $0x200  }
0x1f: {  	[sflag:s15] =	ssyncset.done $0x0  }
0x20: {  	s10 =	simm.s32 $0x300;
	s17 =	rddreg [dreg:$0x5];
	[sflag:s15] =	ssyncadd.s32 $0xFFFFFE00  }
0x21: {  	[tilespmem:s10], [sflag:$0x7] =	stream.linear.gather [hbm4b:s17+s2], $0x900, $0x38;
	[tilespmem:$0x1DA00] =	vst v63  }
0x22: {  	_ =	swait.ge [sflag:s15], $0x900  }
0x23: {  	[sflag:s15] =	ssyncset.done $0x0  }
0x24: {  	[sflag:s15] =	ssyncadd.s32 $0xFFFFF700  }
0x25: {  	[tilespmem:s19], [sflag:$0x1] =	stream.indirect.gather [hbm4b:s4+s18], $0x200, s2, s18, $0xb8;
	[tilespmem:$0x1DA00] =	vst v63  }
0x26: {  	_ = 	snop  }
0x27: {  	[tilespmem:s21], [sflag:$0x1] =	stream.indirect.gather [hbm4b:s3+s20], $0x200, s9, s20, $0xb8;
	[tilespmem:$0x1DA00] =	vst v63  }
0x28: {  	_ = 	snop  }
0x29: {  	[tilespmem:s23], [sflag:$0x1] =	stream.indirect.gather [hbm4b:s4+s22], $0x200, s10, s22, $0xb8;
	[tilespmem:$0x1DA00] =	vst v63  }
0x2a: {  	s12 =	simm.s32 $0x8  }
0x2b: {  	[tilespmem:s25], [sflag:$0x2] =	stream.indirect.gather [hbm4b:s4+s18], $0x200, s12, s18, $0xb8;
	[tilespmem:$0x1DA00] =	vst v63  }
0x2c: {  	s13 =	simm.s32 $0x110  }
0x2d: {  	[tilespmem:s28], [sflag:$0x2] =	stream.indirect.gather [hbm4b:s3+s20], $0x200, s13, s20, $0xb8;
	[tilespmem:$0x1DA00] =	vst v63  }
0x2e: {  	s14 =	simm.s32 $0x348  }
0x2f: {  	[tilespmem:s30], [sflag:$0x2] =	stream.indirect.gather [hbm4b:s4+s22], $0x200, s14, s22, $0xb8;
	[tilespmem:$0x1DA00] =	vst v63  }
0x30: {  	_ =	swait.ge [sflag:s18], $0x9A00  }
0x31: {  	[sflag:s18] =	ssyncset.done $0x0  }
0x32: {  	[sflag:s18] =	ssyncadd.s32 $0xFFFF6600  }
0x33: {  	[hbm4b:s11+s2] =	stream.linear.scatter [tilespmem:s19], [sflag:$0x4], $0x9A00, $0x38;
	[tilespmem:$0x1DA00] =	vst v63  }
0x34: {  	s17 =	simm.s32 $0x10  }
0x35: {  	[tilespmem:s1], [sflag:$0x3] =	stream.indirect.gather [hbm4b:s4+s18], $0x200, s17, s18, $0xb8;
	[tilespmem:$0x1DA00] =	vst v63  }
0x36: {  	s9 =	simm.s32 $0x120  }
0x37: {  	[tilespmem:s24], [sflag:$0x3] =	stream.indirect.gather [hbm4b:s3+s20], $0x200, s9, s20, $0xb8;
	[tilespmem:$0x1DA00] =	vst v63  }
0x38: {  	s10 =	simm.s32 $0x390  }
0x39: {  	[tilespmem:s29], [sflag:$0x3] =	stream.indirect.gather [hbm4b:s4+s22], $0x200, s10, s22, $0xb8;
	[tilespmem:$0x1DA00] =	vst v63  }
0x3a: {  	_ =	swait.ge [sflag:s31], $0x9A00  }
0x3b: {  	[sflag:s31] =	ssyncset.done $0x0  }
0x3c: {  	s12 =	rddreg [dreg:$0x9];
	[sflag:s31] =	ssyncadd.s32 $0xFFFF6600  }
0x3d: {  	[hbm4b:s12+s2] =	stream.linear.scatter [tilespmem:s25], [sflag:$0x5], $0x9A00, $0x38;
	[tilespmem:$0x1DA00] =	vst v63  }
0x3e: {  	_ =	swait.ge [sflag:s0], $0x9A00  }
0x3f: {  	[sflag:s0] =	ssyncset.done $0x0  }
0x40: {  	s13 =	simm.s32 $0x18;
	[sflag:s0] =	ssyncadd.s32 $0xFFFF6600  }
0x41: {  	[tilespmem:s19], [sflag:$0x1] =	stream.indirect.gather [hbm4b:s4+s18], $0x200, s13, s18, $0xb8;
	[tilespmem:$0x1DA00] =	vst v63  }
0x42: {  	s14 =	simm.s32 $0x130  }
0x43: {  	[tilespmem:s21], [sflag:$0x1] =	stream.indirect.gather [hbm4b:s3+s20], $0x200, s14, s20, $0xb8;
	[tilespmem:$0x1DA00] =	vst v63  }
0x44: {  	s17 =	simm.s32 $0x3D8  }
0x45: {  	[tilespmem:s23], [sflag:$0x1] =	stream.indirect.gather [hbm4b:s4+s22], $0x200, s17, s22, $0xb8;
	[tilespmem:$0x1DA00] =	vst v63  }
0x46: {  	_ =	swait.ge [sflag:s26], $0x9A00  }
0x47: {  	[sflag:s26] =	ssyncset.done $0x0  }
0x48: {  	s9 =	rddreg [dreg:$0xa];
	[sflag:s26] =	ssyncadd.s32 $0xFFFF6600  }
0x49: {  	[hbm4b:s9+s2] =	stream.linear.scatter [tilespmem:s1], [sflag:$0x6], $0x9A00, $0x38;
	[tilespmem:$0x1DA00] =	vst v63  }
0x4a: {  	_ =	swait.ge [sflag:s5], $0x9A00  }
0x4b: {  	[sflag:s5] =	ssyncset.done $0x0  }
0x4c: {  	s10 =	simm.s32 $0x20;
	[sflag:s5] =	ssyncadd.s32 $0xFFFF6600  }
0x4d: {  	[tilespmem:s25], [sflag:$0x2] =	stream.indirect.gather [hbm4b:s4+s18], $0x200, s10, s18, $0xb8;
	[tilespmem:$0x1DA00] =	vst v63  }
0x4e: {  	s12 =	simm.s32 $0x140  }
0x4f: {  	[tilespmem:s28], [sflag:$0x2] =	stream.indirect.gather [hbm4b:s3+s20], $0x200, s12, s20, $0xb8;
	[tilespmem:$0x1DA00] =	vst v63  }
0x50: {  	s13 =	simm.s32 $0x420  }
0x51: {  	[tilespmem:s30], [sflag:$0x2] =	stream.indirect.gather [hbm4b:s4+s22], $0x200, s13, s22, $0xb8;
	[tilespmem:$0x1DA00] =	vst v63  }
0x52: {  	_ =	swait.ge [sflag:s18], $0x9A00  }
0x53: {  	[sflag:s18] =	ssyncset.done $0x0  }
0x54: {  	s14 =	sadd.s32 $0xFFFFD980, s16;
	[sflag:s18] =	ssyncadd.s32 $0xFFFF6600  }
0x55: {  	[hbm4b:s14+s2] =	stream.linear.scatter [tilespmem:s19], [sflag:$0x4], $0x9A00, $0x38;
	[tilespmem:$0x1DA00] =	vst v63  }
0x56: {  	_ =	swait.ge [sflag:s6], $0x9A00  }
0x57: {  	[sflag:s6] =	ssyncset.done $0x0  }
0x58: {  	s17 =	simm.s32 $0x28;
	[sflag:s6] =	ssyncadd.s32 $0xFFFF6600  }
0x59: {  	[tilespmem:s1], [sflag:$0x3] =	stream.indirect.gather [hbm4b:s4+s18], $0x200, s17, s18, $0xb8;
	[tilespmem:$0x1DA00] =	vst v63  }
0x5a: {  	s9 =	simm.s32 $0x150  }
0x5b: {  	[tilespmem:s24], [sflag:$0x3] =	stream.indirect.gather [hbm4b:s3+s20], $0x200, s9, s20, $0xb8;
	[tilespmem:$0x1DA00] =	vst v63  }
0x5c: {  	s10 =	simm.s32 $0x468  }
0x5d: {  	[tilespmem:s29], [sflag:$0x3] =	stream.indirect.gather [hbm4b:s4+s22], $0x200, s10, s22, $0xb8;
	[tilespmem:$0x1DA00] =	vst v63  }
0x5e: {  	_ =	swait.ge [sflag:s31], $0x9A00  }
0x5f: {  	[sflag:s31] =	ssyncset.done $0x0  }
0x60: {  	s12 =	sadd.s32 $0xFFFFECC0, s16;
	[sflag:s31] =	ssyncadd.s32 $0xFFFF6600  }
0x61: {  	[hbm4b:s12+s2] =	stream.linear.scatter [tilespmem:s25], [sflag:$0x5], $0x9A00, $0x38;
	[tilespmem:$0x1DA00] =	vst v63  }
0x62: {  	_ =	swait.ge [sflag:s0], $0x9A00  }
0x63: {  	[sflag:s0] =	ssyncset.done $0x0  }
0x64: {  	s13 =	simm.s32 $0x30;
	[sflag:s0] =	ssyncadd.s32 $0xFFFF6600  }
0x65: {  	[tilespmem:s19], [sflag:$0x1] =	stream.indirect.gather [hbm4b:s4+s18], $0x200, s13, s18, $0xb8;
	[tilespmem:$0x1DA00] =	vst v63  }
0x66: {  	s14 =	simm.s32 $0x160  }
0x67: {  	[tilespmem:s21], [sflag:$0x1] =	stream.indirect.gather [hbm4b:s3+s20], $0x200, s14, s20, $0xb8;
	[tilespmem:$0x1DA00] =	vst v63  }
0x68: {  	s17 =	simm.s32 $0x4B0  }
0x69: {  	[tilespmem:s23], [sflag:$0x1] =	stream.indirect.gather [hbm4b:s4+s22], $0x200, s17, s22, $0xb8;
	[tilespmem:$0x1DA00] =	vst v63  }
0x6a: {  	s8 =	simm.s32 $0x360;
	_ =	swait.ge [sflag:s26], $0x9A00  }
0x6b: {  	s9 =	sadd.s32 $0x39C0, s16;
	s10 =	simm.s32 $0x190;
	[sflag:s26] =	ssyncset.done $0x0  }
0x6c: {  	s12 =	simm.s32 $0x48;
	s14 =	smov.u32 s16;
	[sflag:s26] =	ssyncadd.s32 $0xFFFF6600  }
.LBB2_2:
0x6d: {  	[hbm4b:s14+s2] =	stream.linear.scatter [tilespmem:s1], [sflag:$0x6], $0x9A00, $0x38;
	[tilespmem:$0x1DA00] =	vst v63  }
0x6e: {  	s13 =	smov.u32 s8;
	s14 =	smov.u32 s9  }
0x6f: {  	p0 =	sne.s32 s8, $0x1B00;
	s8 =	sadd.s32 $0x360, s8;
	_ =	swait.ge [sflag:s5], $0x9A00  }
0x70: {  	[sflag:s5] =	ssyncset.done $0x0  }
0x71: {  	s17 =	sadd.s32 $0xFFFFFFF0, s12;
	[sflag:s5] =	ssyncadd.s32 $0xFFFF6600  }
0x72: {  	[tilespmem:s25], [sflag:$0x2] =	stream.indirect.gather [hbm4b:s4+s18], $0x200, s17, s18, $0xb8;
	[tilespmem:$0x1DA00] =	vst v63  }
0x73: {  	s13 =	sshra.s32 s13, $0x2;
	s17 =	sadd.s32 $0xFFFFFFE0, s10  }
0x74: {  	[tilespmem:s28], [sflag:$0x2] =	stream.indirect.gather [hbm4b:s3+s20], $0x200, s17, s20, $0xb8;
	[tilespmem:$0x1DA00] =	vst v63  }
0x75: {  	s17 =	sadd.s32 $0x420, s13  }
0x76: {  	[tilespmem:s30], [sflag:$0x2] =	stream.indirect.gather [hbm4b:s4+s22], $0x200, s17, s22, $0xb8;
	[tilespmem:$0x1DA00] =	vst v63  }
0x77: {  	_ =	swait.ge [sflag:s18], $0x9A00  }
0x78: {  	[sflag:s18] =	ssyncset.done $0x0  }
0x79: {  	s17 =	sadd.s32 $0xFFFFD980, s9;
	[sflag:s18] =	ssyncadd.s32 $0xFFFF6600  }
0x7a: {  	[hbm4b:s17+s2] =	stream.linear.scatter [tilespmem:s19], [sflag:$0x4], $0x9A00, $0x38;
	[tilespmem:$0x1DA00] =	vst v63  }
0x7b: {  	_ =	swait.ge [sflag:s6], $0x9A00  }
0x7c: {  	[sflag:s6] =	ssyncset.done $0x0  }
0x7d: {  	s17 =	sadd.s32 $0xFFFFFFF8, s12;
	[sflag:s6] =	ssyncadd.s32 $0xFFFF6600  }
0x7e: {  	[tilespmem:s1], [sflag:$0x3] =	stream.indirect.gather [hbm4b:s4+s18], $0x200, s17, s18, $0xb8;
	[tilespmem:$0x1DA00] =	vst v63  }
0x7f: {  	s17 =	sadd.s32 $0xFFFFFFF0, s10  }
0x80: {  	[tilespmem:s24], [sflag:$0x3] =	stream.indirect.gather [hbm4b:s3+s20], $0x200, s17, s20, $0xb8;
	[tilespmem:$0x1DA00] =	vst v63  }
0x81: {  	s17 =	sadd.s32 $0x468, s13  }
0x82: {  	[tilespmem:s29], [sflag:$0x3] =	stream.indirect.gather [hbm4b:s4+s22], $0x200, s17, s22, $0xb8;
	[tilespmem:$0x1DA00] =	vst v63  }
0x83: {  	_ =	swait.ge [sflag:s31], $0x9A00  }
0x84: {  	[sflag:s31] =	ssyncset.done $0x0  }
0x85: {  	s17 =	sadd.s32 $0xFFFFECC0, s9;
	[sflag:s31] =	ssyncadd.s32 $0xFFFF6600  }
0x86: {  	[hbm4b:s17+s2] =	stream.linear.scatter [tilespmem:s25], [sflag:$0x5], $0x9A00, $0x38;
	[tilespmem:$0x1DA00] =	vst v63  }
0x87: {  	_ =	swait.ge [sflag:s0], $0x9A00  }
0x88: {  	[sflag:s0] =	ssyncset.done $0x0  }
0x89: {  	[sflag:s0] =	ssyncadd.s32 $0xFFFF6600  }
0x8a: {  	[tilespmem:s19], [sflag:$0x1] =	stream.indirect.gather [hbm4b:s4+s18], $0x200, s12, s18, $0xb8;
	[tilespmem:$0x1DA00] =	vst v63  }
0x8b: {  	_ = 	snop  }
0x8c: {  	[tilespmem:s21], [sflag:$0x1] =	stream.indirect.gather [hbm4b:s3+s20], $0x200, s10, s20, $0xb8;
	[tilespmem:$0x1DA00] =	vst v63  }
.Ltmp0:
0x8d: {  	s13 =	sadd.s32 $0x4B0, s13;
	(pc) =	sbr.rel @p0 .LBB2_2-.Ltmp0, $4  }
0x8e: {  	[tilespmem:s23], [sflag:$0x1] =	stream.indirect.gather [hbm4b:s4+s22], $0x200, s13, s22, $0xb8;
	[tilespmem:$0x1DA00] =	vst v63  }
0x8f: {  	_ =	swait.ge [sflag:s26], $0x9A00  }
0x90: {  	s9 =	sadd.s32 $0x39C0, s9;
	[sflag:s26] =	ssyncset.done $0x0  }
0x91: {  	s12 =	sadd.s32 $0x18, s12;
	s10 =	sadd.s32 $0x30, s10;
	[sflag:s26] =	ssyncadd.s32 $0xFFFF6600  }
0x92: {  	[hbm4b:s14+s2] =	stream.linear.scatter [tilespmem:s1], [sflag:$0x6], $0x9A00, $0x38;
	[tilespmem:$0x1DA00] =	vst v63  }
0x93: {  	_ =	swait.ge [sflag:s18], $0x9A00  }
0x94: {  	[sflag:s18] =	ssyncset.done $0x0  }
0x95: {  	s8 =	rddreg [dreg:$0x6];
	[sflag:s18] =	ssyncadd.s32 $0xFFFF6600  }
0x96: {  	[hbm4b:s8+s2] =	stream.linear.scatter [tilespmem:s19], [sflag:$0x4], $0x9A00, $0x38;
	[tilespmem:$0x1DA00] =	vst v63  }
0x97: {  	_ =	swait.ge [sflag:s5], $0x9A00  }
0x98: {  	[sflag:s5] =	ssyncset.done $0x0  }
0x99: {  	s10 =	simm.s32 $0xF8;
	[sflag:s5] =	ssyncadd.s32 $0xFFFF6600  }
0x9a: {  	[tilespmem:s25], [sflag:$0x2] =	stream.indirect.gather [hbm4b:s4+s18], $0x200, s10, s18, $0xb8;
	[tilespmem:$0x1DA00] =	vst v63  }
0x9b: {  	s12 =	simm.s32 $0x2F0  }
0x9c: {  	[tilespmem:s28], [sflag:$0x2] =	stream.indirect.gather [hbm4b:s3+s20], $0x200, s12, s20, $0xb8;
	[tilespmem:$0x1DA00] =	vst v63  }
0x9d: {  	s13 =	simm.s32 $0xBB8  }
0x9e: {  	[tilespmem:s30], [sflag:$0x2] =	stream.indirect.gather [hbm4b:s4+s22], $0x200, s13, s22, $0xb8;
	[tilespmem:$0x1DA00] =	vst v63  }
0x9f: {  	_ =	swait.ge [sflag:s31], $0x9A00  }
0xa0: {  	[sflag:s31] =	ssyncset.done $0x0  }
0xa1: {  	s14 =	rddreg [dreg:$0x7];
	[sflag:s31] =	ssyncadd.s32 $0xFFFF6600  }
0xa2: {  	[hbm4b:s14+s2] =	stream.linear.scatter [tilespmem:s25], [sflag:$0x5], $0x9A00, $0x38;
	[tilespmem:$0x1DA00] =	vst v63  }
0xa3: {  	_ =	swait.ge [sflag:s6], $0x9A00  }
0xa4: {  	[sflag:s6] =	ssyncset.done $0x0  }
0xa5: {  	[sflag:s6] =	ssyncadd.s32 $0xFFFF6600  }
0xa6: {  	_ =	swait.ge [sflag:s0], $0x9A00  }
0xa7: {  	[sflag:s0] =	ssyncset.done $0x0  }
0xa8: {  	[sflag:s0] =	ssyncadd.s32 $0xFFFF6600  }
0xa9: {  	_ =	swait.ge [sflag:s5], $0x9A00  }
0xaa: {  	s7 =	sadd.s32 $0x1, s7;
	s17 =	rddreg [dreg:$0x8]  }
0xab: {  	p0 =	sne.s32 s7, s17  }
.Ltmp1:
0xac: {  	_ = 	snop;
	(pc) =	sbr.rel @p0 .LBB2_1-.Ltmp1, $3  }
0xad: {  	_ =	sdelay $0x1  }
0xae: {  	[sflag:s5] =	ssyncset.done $0x0  }
0xaf: {  	[sflag:s5] =	ssyncadd.s32 $0xFFFF6600  }
0xb0: {  	_ =	sfence.sel $0x180000  }
0xb1: {  	[bflag:$0x0] =	sbarrier.arrive $0xFFFF  }
0xb2: {  	_ =	strace $0x9000004A  }
0xb3: {  	s0 =	stileid.u32;
	[bflag:$0x2] =	sbarrier.arrive $0xFFFF  }
0xb4: {  	p0 =	sne.s32 s0, $0x0;
	s0 =	rddreg [dreg:$0x2]  }
0xb5: {  	s0 =	sadd.s32 @!p0 $0x100000, s0  }
0xb6: {  	[sflag:s0] =	ssyncadd.tile.s32 @!p0 $0x1;
	_ =	shalt  }
.Lfunc_end2:
_tile_overlayer_lowered:
.L_overlay_start_2:
0xb7: {  	(tag) =	ssettag $0x2  }
0xb8: {  	s0 =	rddreg [dreg:$0x0];
	s2 =	stileid.u32  }
0xb9: {  	s1 =	rddreg [dreg:$0x1];
	p0 =	sne.s32 s2, $0x0  }
0xba: {  	s3 =	rddreg [dreg:$0x2];
	[bflag:$0x3] =	sbarrier.arrive $0xFFFF;
	s2 =	simm.s32 @!p0 $0x1C07  }
0xbb: {  	[timem:s3], [sflag:s2] =	dma.local @!p0 [hbm:s0], s1  }
0xbc: {  	s0 =	simm.s32 @!p0 $0x7  }
0xbd: {  	_ =	swait.ge @!p0 [sflag:s0], s1  }
0xbe: {  	s1 =	ssub.s32 @!p0 $0x0, s1;
	[sflag:s0] =	ssyncset.done @!p0 $0x0  }
0xbf: {  	[sflag:s0] =	ssyncadd.s32 @!p0 s1  }
0xc0: {  	[bflag:$0x3] =	sbarrier.arrive $0xFFFF  }
0xc1: {  	_ =	shalt  }

// kernel: sparse-core-data-format-call.1.cloned.1.call-start
scs
called_computation.1_lowered:
.L_overlay_start_0:
0x0: {  	s2 =	sld [smem:$0x3FD9]  }
0x1: {  	s3 =	sld [smem:$0x3FFE];
	_ =	sdelay $0x1  }
0x2: {  	s1 =	srdreg.scid  }
0x3: {  	s0 =	sand.u32 $0x1, s1  }
0x4: {  	s18 =	sshll.u32 s0, $0xA;
	s2 =	sadd.s32 s3, s2  }
0x5: {  	s2 =	sadd.s32 s2, s18  }
0x6: {  	[smem:$0x3FC5] =	sst s2  }
0x7: {  	_ = 	snop  }
0x8: {  	s2 =	sld [smem:$0x3FC7];
	(tm) =	ssettm $0x1  }
0x9: {  	s19 =	sld [smem:$0x3FFB];
	_ =	sdelay $0x3  }
0xa: {  	_ =	strace s19  }
0xb: {  	s3 =	sld [smem:$0x3FFC];
	_ =	sdelay $0x3  }
0xc: {  	_ =	strace s3  }
0xd: {  	s3 =	sld [smem:$0x3FFD];
	_ =	sdelay $0x3  }
0xe: {  	_ =	strace s3  }
0xf: {  	_ =	strace $0x8FFFFFFF  }
0x10: {  	s20 =	sld [smem:$0x3FDB];
	_ =	sdelay $0x1  }
0x11: {  	s4 =	simm.s32 $_scs_section_size  }
0x12: {  	s5 =	simm.s32 $_size__tile_overlayer_lowered;
	s6 =	simm.s32 $_tile_overlayer_lowered  }
0x13: {  	s23 =	simm.s32 $0x1BFF;
	s22 =	sshll.u32 s6, $0x1;
	s3 =	sadd.s32 s4, s20  }
0x14: {  	s7 =	simm.s32 $0x0;
	s21 =	sshll.u32 s5, $0x1;
	s5 =	sadd.s32 s22, s3  }
0x15: {  	[timem:s7], [sflag:s23] =	dma.local [hbm:s5], s21  }
0x16: {  	_ =	swait.ge [sflag:s23], s21  }
0x17: {  	s4 =	ssub.s32 $0x0, s21;
	[sflag:s23] =	ssyncset.done $0x0  }
0x18: {  	[sflag:s23] =	ssyncadd.s32 s4;
	_ =	sdelay $0x1  }
0x19: {  	s24 =	simm.s32 $0x1B8B  }
0x1a: {  	_ =	swait.ge [sflag:s24], $0x1  }
0x1b: {  	[sflag:s24] =	ssyncset.done $0x0  }
0x1c: {  	s26 =	simm.s32 $0x1B8E;
	s25 =	sld [smem:$0x3FFE];
	[sflag:s24] =	ssyncadd.s32 $0xFFFFFFFF  }
0x1d: {  	s27 =	simm.s32 $execute0_lowered;
	[smem:$0x3FD2] =	sst s26  }
0x1e: {  	s5 =	sshll.u32 s27, $0x1;
	_ =	strace $0x80000046;
	[dreg:$0x1] =	wrdreg $0xFFFFFFFF  }
0x1f: {  	s28 =	simm.s32 $_size_execute0_lowered;
	s3 =	sadd.s32 s3, s5;
	[dreg:$0x0] =	wrdreg $0x0  }
0x20: {  	s5 =	sshll.u32 s28, $0x1;
	[dreg:$0x2] =	wrdreg s3  }
0x21: {  	[dreg:$0x3] =	wrdreg s5  }
0x22: {  	[dreg:$0x4] =	wrdreg $0xC0  }
0x23: {  	_ =	task [dreg:s7], $0x5FFFF  }
0x24: {  	[dreg:$0x1] =	wrdreg $0xFFFFFFFF  }
0x25: {  	[dreg:$0x0] =	wrdreg $0x60  }
0x26: {  	[dreg:$0x2] =	wrdreg s2  }
0x27: {  	[dreg:$0x3] =	wrdreg s25  }
0x28: {  	[dreg:$0x4] =	wrdreg $0x9  }
0x29: {  	_ =	task.clear_ibuf [dreg:s7], $0x5FFFF;
	_ =	strace $0x90000046  }
0x2a: {  	s29 =	simm.s32 $0x9;
	_ =	strace $0x80000048  }
0x2b: {  	_ =	swait.ge [sflag:s29], $0x1  }
0x2c: {  	[sflag:s29] =	ssyncadd.s32 $0xFFFFFFFF  }
0x2d: {  	_ =	strace $0x90000048  }
0x2e: {  	_ =	sfence  }
0x2f: {  	s30 =	sld [smem:$0x0];
	_ =	sdelay $0x2  }
0x30: {  	s31 =	sshll.u32 s1, $0xD;
	s1 =	sshrl.u32 s1, $0x2  }
0x31: {  	s3 =	sand.u32 $0x4000, s31;
	s1 =	sadd.s32 s1, s30  }
0x32: {  	s0 =	sor.u32 s3, s0;
	s1 =	sshll.u32 s1, $0x11  }
0x33: {  	s0 =	sor.u32 s1, s0  }
0x34: {  	s0 =	sadd.s32 $0x8F2B, s0  }
0x35: {  	[sflag:s0] =	ssyncadd.remote.s32 $0x1  }
0x36: {  	_ =	sfence.sel $0xFFFF  }
0x37: {  	[dreg:$0x0] =	wrdreg $0xFFFFFFFF;
	(pc) =	sbr.abs _section_cstart, $3  }
0x38: {  	[dreg:$0x1] =	wrdreg $0xFFFFFFFF  }
0x39: {  	_ =	task.clear_ibuf [dreg:s7], $0x2FFFF;
	_ =	strace $0x9FFFFFFF  }
0x3a: {  	(tm) =	ssettm $0x7FFFFFFF  }
0x3b: {  	_ =	shalt  }
tec
execute0_lowered:
.L_overlay_start_1:
0x0: {  	(tag) =	ssettag $0x1  }
0x1: {  	s0 =	srdreg.scid  }
0x2: {  	s1 =	sshll.u32 s0, $0x4  }
0x3: {  	s2 =	rddreg [dreg:$0x0];
	s0 =	stileid.u32;
	s1 =	sand.u32 $0x10, s1  }
0x4: {  	s4 =	rddreg [dreg:$0x1];
	s7 =	simm.s32 $0x1;
	s1 =	sor.u32 s0, s1  }
0x5: {  	s8 =	simm.s32 $0x2;
	s9 =	simm.s32 $0x0;
	s3 =	sshll.u32 s1, $0x2  }
0x6: {  	s12 =	simm.s32 $0x0;
	s11 =	simm.s32 $0x0;
	s6 =	ssub.s32 $0x1820, s3  }
.Ltmp0:
0x7: {  	s4 =	sadd.s32 $0x1200, s4;
	s5 =	sand.u32 $0x7C, s6;
	(pc) =	sbr.rel .LBB1_1-.Ltmp0, $4  }
0x8: {  	s1 =	rddreg [dreg:$0x2];
	_ =	strace $0x80000047;
	p0 =	sne.s32 s5, $0x0  }
0x9: {  	s6 =	sshrl.u32 s6, $0x7;
	s5 =	simm.s32 $0x1;
	s7 =	simm.s32 @!p0 $0x0  }
0xa: {  	s10 =	smov.u32 s3;
	[sflag:s5] =	ssyncpa.u1 $0x0;
	s6 =	sadd.s32 s7, s6  }
0xb: {  	[sflag:s8] =	ssyncpa.u1 $0x0;
	s8 =	simm.s32 $0x0;
	s7 =	sadd.s32 $0x1, s6  }
.LBB1_9:
0xc: {  	s14 =	sadd.s32 $0x80, s10  }
0xd: {  	p1 =	sgt.s32 s14, $0x181F  }
0xe: {  	s14 =	smov.u32 @p1 s3;
	p1 =	sne.s32 s11, s7  }
.Ltmp1:
0xf: {  	p0 =	slt.u32 s11, $0x2;
	(pc) =	sbr.rel @!p1 .LBB1_10-.Ltmp1, $4  }
0x10: {  	s13 =	simm.s32 @!p0 $0x2  }
0x11: {  	s15 =	sadd.s32 $0x1, s11;
	_ =	swait.ge @!p0 [sflag:s13], $0x4000  }
0x12: {  	s12 =	smov.u32 s10;
	s9 =	sadd.s32 $0x4000, s9;
	[sflag:s13] =	ssyncset.done @!p0 $0x0  }
0x13: {  	s11 =	smov.u32 s15;
	s10 =	smov.u32 s14;
	[sflag:s13] =	ssyncadd.s32 @!p0 $0xFFFFC000  }
.LBB1_1:
0x14: {  	p0 =	sge.u32 s11, s6  }
0x15: {  	s13 =	sxor.u32 @!p0 $0xFFFFFFFF, s11  }
0x16: {  	s31 =	sadd.s32 $0xFFFFFFFF, s11;
	s14 =	sshll.u32 @!p0 s10, $0x9;
	s13 =	sshll.u32 @!p0 s13, $0xE  }
0x17: {  	s15 =	simm.s32 @!p0 $0x0;
	s14 =	sadd.s32 @!p0 s2, s14;
	s13 =	sand.u32 @!p0 $0x4000, s13  }
0x18: {  	[tilespmem:s13], [sflag:$0x1] =	stream.linear.gather @!p0 [hbm4b:s14+s15], $0x4000, $0x38;
	[tilespmem:$0x10000] =	vst v63  }
0x19: {  	p0 =	sge.u32 s31, s6  }
.Ltmp2:
0x1a: {  	_ = 	snop;
	(pc) =	sbr.rel @p0 .LBB1_9-.Ltmp2, $1  }
0x1b: {  	_ =	sdelay $0x3  }
0x1c: {  	s14 =	sand.u32 $0x4000, s9  }
0x1d: {  	_ =	swait.ge [sflag:s5], $0x4000;
	s15 =	sshll.u32 s11, $0xE;
	s16 =	simm.s32 $0x0  }
0x1e: {  	s13 =	sor.u32 $0x40, s14;
	[sflag:s5] =	ssyncset.done $0x0;
	s15 =	sand.u32 $0x4000, s15  }
0x1f: {  	s14 =	sor.u32 $0x8040, s14;
	[sflag:s5] =	ssyncadd.s32 $0xFFFFC000;
	s15 =	sor.u32 $0x8000, s15  }
.LBB1_3:
0x20: {  	s17 =	smov.u32 s14;
	s18 =	smov.u32 s13;
	s19 =	simm.s32 $0x0  }
.LBB1_4:
0x21: {  	v0 =	vmov s17;
	v2 =	vld [tilespmem:s18+$0x30]  }
0x22: {  	v4 =	vld [tilespmem:s18+$0xFFFFFFD0]  }
0x23: {  	v6 =	vld [tilespmem:s18+$0xFFFFFFE0]  }
0x24: {  	v7 =	vld [tilespmem:s18+$0xFFFFFFF0]  }
0x25: {  	s20 =	simm.s32 $0x0;
	v1 =	vld [tilespmem:s18+$0x0]  }
0x26: {  	v3 =	vld [tilespmem:s18+$0x10];
	[tilespmem:v0+s20+$0x30 ss:$0x1] =	vst.idx.msk $0xffff, v2  }
0x27: {  	v5 =	vld [tilespmem:s18+$0x20];
	[tilespmem:v0+s20+$0xFFFFFFD0 ss:$0x1] =	vst.idx.msk $0xffff, v4  }
0x28: {  	s21 =	sadd.s32 $0x80, s18;
	v2 =	vld [tilespmem:s18+$0xFFFFFFC0];
	[tilespmem:v0+s20+$0xFFFFFFE0 ss:$0x1] =	vst.idx.msk $0xffff, v6  }
0x29: {  	s22 =	simm.s32 $0x800;
	s23 =	simm.s32 $0x1000;
	v4 =	vld [tilespmem:s21+$0x30];
	[tilespmem:v0+s20+$0xFFFFFFF0 ss:$0x1] =	vst.idx.msk $0xffff, v7  }
.LBB1_5:
0x2a: {  	p0 =	sne.s32 s23, $0x3800;
	v6 =	vld [tilespmem:s21+$0xFFFFFFD0];
	[tilespmem:v0+s20+$0x0 ss:$0x1] =	vst.idx.msk $0xffff, v1  }
0x2b: {  	v7 =	vld [tilespmem:s21+$0xFFFFFFE0];
	[tilespmem:v0+s20+$0x10 ss:$0x1] =	vst.idx.msk $0xffff, v3  }
0x2c: {  	v8 =	vld [tilespmem:s21+$0xFFFFFFF0];
	[tilespmem:v0+s20+$0x20 ss:$0x1] =	vst.idx.msk $0xffff, v5  }
.Ltmp3:
0x2d: {  	v1 =	vld [tilespmem:s21+$0x0];
	[tilespmem:v0+s20+$0xFFFFFFC0 ss:$0x1] =	vst.idx.msk $0xffff, v2;
	s20 =	sshra.s32 s22, $0x2;
	s22 =	smov.u32 s23;
	(pc) =	sbr.rel @p0 .LBB1_5-.Ltmp3, $4  }
0x2e: {  	v3 =	vld [tilespmem:s21+$0x10];
	[tilespmem:v0+s20+$0x30 ss:$0x1] =	vst.idx.msk $0xffff, v4  }
0x2f: {  	[tilespmem:v0+s20+$0xFFFFFFD0 ss:$0x1] =	vst.idx.msk $0xffff, v6;
	v5 =	vld [tilespmem:s21+$0x20]  }
0x30: {  	v2 =	vld [tilespmem:s21+$0xFFFFFFC0];
	[tilespmem:v0+s20+$0xFFFFFFE0 ss:$0x1] =	vst.idx.msk $0xffff, v7;
	s21 =	sadd.s32 $0x80, s21  }
0x31: {  	s23 =	sadd.s32 $0x800, s23;
	v4 =	vld [tilespmem:s21+$0x30];
	[tilespmem:v0+s20+$0xFFFFFFF0 ss:$0x1] =	vst.idx.msk $0xffff, v8  }
0x32: {  	_ =	sdelay $0x3  }
0x33: {  	v6 =	vld [tilespmem:s21+$0xFFFFFFD0];
	[tilespmem:v0+s20+$0x0 ss:$0x1] =	vst.idx.msk $0xffff, v1  }
0x34: {  	v58 =	vld [tilespmem:s21+$0xFFFFFFE0];
	[tilespmem:v0+s20+$0x10 ss:$0x1] =	vst.idx.msk $0xffff, v3  }
0x35: {  	v59 =	vld [tilespmem:s21+$0xFFFFFFF0];
	[tilespmem:v0+s20+$0x20 ss:$0x1] =	vst.idx.msk $0xffff, v5  }
0x36: {  	s22 =	sshra.s32 s22, $0x2;
	v60 =	vld [tilespmem:s21+$0x0];
	[tilespmem:v0+s20+$0xFFFFFFC0 ss:$0x1] =	vst.idx.msk $0xffff, v2  }
0x37: {  	v61 =	vld [tilespmem:s21+$0x10];
	[tilespmem:v0+s22+$0x30 ss:$0x1] =	vst.idx.msk $0xffff, v4  }
0x38: {  	v62 =	vld [tilespmem:s21+$0x20];
	s19 =	sadd.s32 $0x1, s19;
	[tilespmem:v0+s22+$0xFFFFFFD0 ss:$0x1] =	vst.idx.msk $0xffff, v6  }
0x39: {  	v63 =	vld [tilespmem:s21+$0xFFFFFFC0];
	p0 =	sne.s32 s19, $0x4;
	[tilespmem:v0+s22+$0xFFFFFFE0 ss:$0x1] =	vst.idx.msk $0xffff, v58  }
.Ltmp4:
0x3a: {  	[tilespmem:v0+s22+$0xFFFFFFF0 ss:$0x1] =	vst.idx.msk $0xffff, v59;
	(pc) =	sbr.rel @p0 .LBB1_4-.Ltmp4, $4  }
0x3b: {  	[tilespmem:v0+s22+$0x0 ss:$0x1] =	vst.idx.msk $0xffff, v60  }
0x3c: {  	[tilespmem:v0+s22+$0x10 ss:$0x1] =	vst.idx.msk $0xffff, v61  }
0x3d: {  	[tilespmem:v0+s22+$0x20 ss:$0x1] =	vst.idx.msk $0xffff, v62  }
0x3e: {  	s18 =	sadd.s32 $0x400, s18;
	s17 =	sadd.s32 $0x80, s17;
	[tilespmem:v0+s22+$0xFFFFFFC0 ss:$0x1] =	vst.idx.msk $0xffff, v63  }
0x3f: {  	s16 =	sadd.s32 $0x1, s16  }
0x40: {  	p0 =	sne.s32 s16, $0x4  }
.Ltmp5:
0x41: {  	_ = 	snop;
	(pc) =	sbr.rel @p0 .LBB1_3-.Ltmp5, $2  }
0x42: {  	_ =	sdelay $0x2  }
0x43: {  	s13 =	sadd.s32 $0x1000, s13;
	s14 =	sadd.s32 $0x1000, s14  }
.Ltmp6:
0x44: {  	(pc) =	sbr.rel .LBB1_9-.Ltmp6, $4  }
0x45: {  	_ = 	snop  }
0x46: {  	s12 =	sshll.u32 s12, $0x9  }
0x47: {  	s12 =	sadd.s32 s4, s12  }
0x48: {  	[hbm4b:s12+s8] =	stream.linear.scatter [tilespmem:s15], [sflag:$0x2], $0x4000, $0x38;
	[tilespmem:$0x10000] =	vst v63  }
.LBB1_10:
0x49: {  	_ =	sfence.sel $0x180000  }
0x4a: {  	s2 =	simm.s32 $0x1;
	[bflag:$0x0] =	sbarrier.arrive $0xFFFF  }
0x4b: {  	s31 =	simm.s32 $0x2;
	[sflag:s2] =	ssyncpa.u1 $0x1  }
0x4c: {  	[sflag:s31] =	ssyncpa.u1 $0x1  }
0x4d: {  	p0 =	sne.s32 s0, $0x0;
	_ =	strace $0x90000047  }
0x4e: {  	s0 =	sadd.s32 @!p0 $0x100000, s1;
	[bflag:$0x2] =	sbarrier.arrive $0xFFFF  }
0x4f: {  	[sflag:s0] =	ssyncadd.tile.s32 @!p0 $0x1;
	_ =	shalt  }
.Lfunc_end1:
_tile_overlayer_lowered:
.L_overlay_start_2:
0x50: {  	(tag) =	ssettag $0x2  }
0x51: {  	s0 =	rddreg [dreg:$0x0];
	s2 =	stileid.u32  }
0x52: {  	s1 =	rddreg [dreg:$0x1];
	p0 =	sne.s32 s2, $0x0  }
0x53: {  	s3 =	rddreg [dreg:$0x2];
	[bflag:$0x3] =	sbarrier.arrive $0xFFFF;
	s2 =	simm.s32 @!p0 $0x1C01  }
0x54: {  	[timem:s3], [sflag:s2] =	dma.local @!p0 [hbm:s0], s1  }
0x55: {  	s0 =	simm.s32 @!p0 $0x1  }
0x56: {  	_ =	swait.ge @!p0 [sflag:s0], s1  }
0x57: {  	s1 =	ssub.s32 @!p0 $0x0, s1;
	[sflag:s0] =	ssyncset.done @!p0 $0x0  }
0x58: {  	[sflag:s0] =	ssyncadd.s32 @!p0 s1  }
0x59: {  	[bflag:$0x3] =	sbarrier.arrive $0xFFFF  }
0x5a: {  	_ =	shalt  }

// kernel: sparse-core-data-format-call.cloned.1.call-start
scs
called_computation_lowered:
.L_overlay_start_0:
0x0: {  	s2 =	sld [smem:$0x3FD9]  }
0x1: {  	s3 =	sld [smem:$0x3FFE];
	_ =	sdelay $0x1  }
0x2: {  	s1 =	srdreg.scid  }
0x3: {  	s0 =	sand.u32 $0x1, s1  }
0x4: {  	s18 =	sshll.u32 s0, $0xA;
	s2 =	sadd.s32 s3, s2  }
0x5: {  	s2 =	sadd.s32 s2, s18  }
0x6: {  	[smem:$0x3FC5] =	sst s2  }
0x7: {  	_ = 	snop  }
0x8: {  	s2 =	sld [smem:$0x3FD0];
	(tm) =	ssettm $0x1  }
0x9: {  	s19 =	sld [smem:$0x3FFB];
	_ =	sdelay $0x3  }
0xa: {  	_ =	strace s19  }
0xb: {  	s3 =	sld [smem:$0x3FFC];
	_ =	sdelay $0x3  }
0xc: {  	_ =	strace s3  }
0xd: {  	s3 =	sld [smem:$0x3FFD];
	_ =	sdelay $0x3  }
0xe: {  	_ =	strace s3  }
0xf: {  	_ =	strace $0x8FFFFFFF  }
0x10: {  	s20 =	sld [smem:$0x3FDB];
	_ =	sdelay $0x1  }
0x11: {  	s4 =	simm.s32 $_scs_section_size  }
0x12: {  	s5 =	simm.s32 $_size__tile_overlayer_lowered;
	s6 =	simm.s32 $_tile_overlayer_lowered  }
0x13: {  	s23 =	simm.s32 $0x1BFF;
	s22 =	sshll.u32 s6, $0x1;
	s3 =	sadd.s32 s4, s20  }
0x14: {  	s7 =	simm.s32 $0x0;
	s21 =	sshll.u32 s5, $0x1;
	s5 =	sadd.s32 s22, s3  }
0x15: {  	[timem:s7], [sflag:s23] =	dma.local [hbm:s5], s21  }
0x16: {  	_ =	swait.ge [sflag:s23], s21  }
0x17: {  	s4 =	ssub.s32 $0x0, s21;
	[sflag:s23] =	ssyncset.done $0x0  }
0x18: {  	[sflag:s23] =	ssyncadd.s32 s4;
	_ =	sdelay $0x1  }
0x19: {  	s24 =	simm.s32 $0x1B8B  }
0x1a: {  	_ =	swait.ge [sflag:s24], $0x1  }
0x1b: {  	[sflag:s24] =	ssyncset.done $0x0  }
0x1c: {  	s26 =	simm.s32 $0x1B8E;
	s25 =	sld [smem:$0x3FFE];
	[sflag:s24] =	ssyncadd.s32 $0xFFFFFFFF  }
0x1d: {  	s27 =	simm.s32 $execute0_lowered;
	[smem:$0x3FD2] =	sst s26  }
0x1e: {  	s5 =	sshll.u32 s27, $0x1;
	_ =	strace $0x8000004C;
	[dreg:$0x1] =	wrdreg $0xFFFFFFFF  }
0x1f: {  	s28 =	simm.s32 $_size_execute0_lowered;
	s3 =	sadd.s32 s3, s5;
	[dreg:$0x0] =	wrdreg $0x0  }
0x20: {  	s5 =	sshll.u32 s28, $0x1;
	[dreg:$0x2] =	wrdreg s3  }
0x21: {  	[dreg:$0x3] =	wrdreg s5  }
0x22: {  	[dreg:$0x4] =	wrdreg $0xC0  }
0x23: {  	_ =	task [dreg:s7], $0x5FFFF  }
0x24: {  	[dreg:$0x1] =	wrdreg $0xFFFFFFFF  }
0x25: {  	[dreg:$0x0] =	wrdreg $0x60  }
0x26: {  	[dreg:$0x2] =	wrdreg s25  }
0x27: {  	[dreg:$0x3] =	wrdreg s2  }
0x28: {  	[dreg:$0x4] =	wrdreg $0x9  }
0x29: {  	_ =	task.clear_ibuf [dreg:s7], $0x5FFFF;
	_ =	strace $0x9000004C  }
0x2a: {  	s29 =	simm.s32 $0x9;
	_ =	strace $0x8000004E  }
0x2b: {  	_ =	swait.ge [sflag:s29], $0x1  }
0x2c: {  	[sflag:s29] =	ssyncadd.s32 $0xFFFFFFFF  }
0x2d: {  	_ =	strace $0x9000004E  }
0x2e: {  	_ =	sfence  }
0x2f: {  	s30 =	sld [smem:$0x0];
	_ =	sdelay $0x2  }
0x30: {  	s31 =	sshll.u32 s1, $0xD;
	s1 =	sshrl.u32 s1, $0x2  }
0x31: {  	s3 =	sand.u32 $0x4000, s31;
	s1 =	sadd.s32 s1, s30  }
0x32: {  	s0 =	sor.u32 s3, s0;
	s1 =	sshll.u32 s1, $0x11  }
0x33: {  	s0 =	sor.u32 s1, s0  }
0x34: {  	s0 =	sadd.s32 $0x8F2B, s0  }
0x35: {  	[sflag:s0] =	ssyncadd.remote.s32 $0x1  }
0x36: {  	_ =	sfence.sel $0xFFFF  }
0x37: {  	[dreg:$0x0] =	wrdreg $0xFFFFFFFF;
	(pc) =	sbr.abs _section_cstart, $3  }
0x38: {  	[dreg:$0x1] =	wrdreg $0xFFFFFFFF  }
0x39: {  	_ =	task.clear_ibuf [dreg:s7], $0x2FFFF;
	_ =	strace $0x9FFFFFFF  }
0x3a: {  	(tm) =	ssettm $0x7FFFFFFF  }
0x3b: {  	_ =	shalt  }
tec
execute0_lowered:
.L_overlay_start_1:
0x0: {  	(tag) =	ssettag $0x1  }
0x1: {  	s0 =	srdreg.scid  }
0x2: {  	s1 =	sshll.u32 s0, $0x4  }
0x3: {  	s8 =	rddreg [dreg:$0x0];
	s0 =	stileid.u32;
	s1 =	sand.u32 $0x10, s1  }
0x4: {  	s3 =	rddreg [dreg:$0x1];
	s29 =	sshll.u32 s0, $0x7;
	s7 =	sor.u32 s0, s1  }
0x5: {  	s30 =	simm.s32 $0x2;
	s1 =	sand.u32 $0x380, s29;
	s2 =	sshll.u32 s7, $0x4  }
0x6: {  	s18 =	simm.s32 $0x0;
	s4 =	ssub.s32 $0x400, s1;
	s2 =	sand.u32 $0x180, s2  }
0x7: {  	s11 =	simm.s32 $0x1000;
	s5 =	sand.u32 $0x380, s4;
	s6 =	ssub.s32 $0x200, s2  }
0x8: {  	p0 =	sne.s32 s5, $0x0;
	s5 =	simm.s32 $0x1;
	s9 =	sand.u32 $0x180, s6  }
0x9: {  	s5 =	simm.s32 @!p0 $0x0;
	p0 =	sne.s32 s9, $0x0;
	s9 =	simm.s32 $0x1  }
0xa: {  	s10 =	sshrl.u32 s4, $0xA;
	s6 =	sshrl.u32 s6, $0x9;
	s9 =	simm.s32 @!p0 $0x0  }
0xb: {  	s12 =	simm.s32 $0x0;
	s10 =	sadd.s32 s5, s10;
	s6 =	sadd.s32 s9, s6  }
0xc: {  	s16 =	simm.s32 $0x0;
	s17 =	simm.s32 $0x0;
	s6 =	smul.u32 s6, s10  }
.Ltmp0:
0xd: {  	s13 =	simm.s32 $0x0;
	s15 =	simm.s32 $0x0;
	(pc) =	sbr.rel .LBB1_1-.Ltmp0, $4  }
0xe: {  	s31 =	sshll.u32 s7, $0x7;
	s7 =	sadd.s32 $0x1200, s8;
	s4 =	rddreg [dreg:$0x2]  }
0xf: {  	_ =	strace $0x8000004D;
	s5 =	simm.s32 $0x1;
	s6 =	smul.u32 $0x4D, s6  }
0x10: {  	s14 =	smov.u32 s1;
	s8 =	sand.u32 $0xC00, s31;
	[sflag:s5] =	ssyncpa.u1 $0x0  }
0x11: {  	[sflag:s30] =	ssyncpa.u1 $0x0;
	s10 =	simm.s32 $0x400;
	s9 =	sadd.s32 $0x1, s6  }
.LBB1_4:
0x12: {  	_ =	sdelay $0x3  }
0x13: {  	[tilespmem:v0+s21+$0xFFFFFFD0 ss:$0x1] =	vst.idx.msk $0xffff, v6  }
0x14: {  	v56 =	vld.idx.msk [tilespmem:v1+s20+$0x0 ss:$0x1], $0xffff;
	[tilespmem:v0+s21+$0xFFFFFFE0 ss:$0x1] =	vst.idx.msk $0xffff, v4  }
0x15: {  	v57 =	vld.idx.msk [tilespmem:v1+s20+$0xFFFFFF90 ss:$0x1], $0xffff;
	[tilespmem:v0+s21+$0xFFFFFFF0 ss:$0x1] =	vst.idx.msk $0xffff, v2  }
0x16: {  	v58 =	vld.idx.msk [tilespmem:v1+s20+$0xFFFFFFA0 ss:$0x1], $0xffff;
	[tilespmem:v0+s21+$0x0 ss:$0x1] =	vst.idx.msk $0xffff, v3  }
0x17: {  	v59 =	vld.idx.msk [tilespmem:v1+s20+$0xFFFFFFB0 ss:$0x1], $0xffff;
	[tilespmem:v0+s21+$0x10 ss:$0x1] =	vst.idx.msk $0xffff, v5  }
0x18: {  	v60 =	vld.idx.msk [tilespmem:v1+s20+$0xFFFFFFC0 ss:$0x1], $0xffff;
	[tilespmem:v0+s21+$0x20 ss:$0x1] =	vst.idx.msk $0xffff, v7  }
0x19: {  	v61 =	vld.idx.msk [tilespmem:v1+s20+$0xFFFFFFD0 ss:$0x1], $0xffff;
	[tilespmem:v0+s20+$0x30 ss:$0x1] =	vst.idx.msk $0xffff, v56  }
0x1a: {  	v62 =	vld.idx.msk [tilespmem:v1+s20+$0xFFFFFFE0 ss:$0x1], $0xffff;
	s29 =	sshll.u32 s17, $0x9;
	[tilespmem:v0+s20+$0xFFFFFFC0 ss:$0x1] =	vst.idx.msk $0xffff, v57  }
0x1b: {  	v63 =	vld.idx.msk [tilespmem:v1+s20+$0xFFFFFFF0 ss:$0x1], $0xffff;
	s18 =	sshll.u32 s18, $0x3;
	s22 =	sshll.u32 s17, $0x7;
	s21 =	sand.u32 $0x7F000, s29;
	[tilespmem:v0+s20+$0xFFFFFFD0 ss:$0x1] =	vst.idx.msk $0xffff, v58  }
0x1c: {  	s30 =	sand.u32 $0x200, s22;
	s18 =	sor.u32 s21, s18;
	[tilespmem:v0+s20+$0xFFFFFFE0 ss:$0x1] =	vst.idx.msk $0xffff, v59  }
0x1d: {  	s16 =	sshll.u32 s16, $0x10;
	s31 =	sshll.u32 s17, $0x4;
	s18 =	sor.u32 s30, s18;
	[tilespmem:v0+s20+$0xFFFFFFF0 ss:$0x1] =	vst.idx.msk $0xffff, v60  }
0x1e: {  	s17 =	sand.u32 $0x30, s31;
	s16 =	sadd.s32 s3, s16;
	s18 =	sshrl.u32 s18, $0x3;
	[tilespmem:v0+s20+$0x0 ss:$0x1] =	vst.idx.msk $0xffff, v61  }
0x1f: {  	s16 =	sadd.s32 s17, s16;
	[tilespmem:v0+s20+$0x10 ss:$0x1] =	vst.idx.msk $0xffff, v62;
	s18 =	sand.u32 $0xFFC0, s18  }
0x20: {  	[tilespmem:v0+s20+$0x20 ss:$0x1] =	vst.idx.msk $0xffff, v63;
	s16 =	sadd.s32 s18, s16  }
0x21: {  	[hbm4b:s16+s10] =	stream.strided.scatter [tilespmem:s19], [sflag:$0x2], $0x4000, s11, s10, $0x38;
	[tilespmem:$0x10000] =	vst v63  }
.LBB1_5:
0x22: {  	s19 =	sadd.s32 $0x1, s13  }
0x23: {  	s16 =	sadd.s32 $0x400, s14;
	s20 =	smov.u32 s14;
	p1 =	sgt.s32 s19, $0x4C  }
0x24: {  	s20 =	smov.u32 @p1 s16  }
0x25: {  	s19 =	simm.s32 @p1 $0x0;
	p1 =	sgt.s32 s20, $0x3FF  }
0x26: {  	s20 =	smov.u32 @p1 s1;
	p1 =	sne.s32 s15, s9  }
.Ltmp1:
0x27: {  	p0 =	slt.u32 s15, $0x2;
	(pc) =	sbr.rel @!p1 .LBB1_6-.Ltmp1, $4  }
0x28: {  	s17 =	smov.u32 s14;
	s18 =	simm.s32 @!p0 $0x2  }
0x29: {  	s12 =	sadd.s32 $0x4000, s12;
	_ =	swait.ge @!p0 [sflag:s18], $0x4000;
	s16 =	smov.u32 s13  }
0x2a: {  	[sflag:s18] =	ssyncset.done @!p0 $0x0;
	s13 =	smov.u32 s19;
	s15 =	sadd.s32 $0x1, s15  }
0x2b: {  	[sflag:s18] =	ssyncadd.s32 @!p0 $0xFFFFC000;
	s18 =	smov.u32 s2;
	s14 =	smov.u32 s20  }
.LBB1_1:
0x2c: {  	p0 =	sge.u32 s15, s6  }
0x2d: {  	s19 =	sshll.u32 @!p0 s13, $0x9  }
0x2e: {  	s20 =	sshll.u32 @!p0 s13, $0x7;
	s19 =	sand.u32 @!p0 $0xFFFFF000, s19  }
0x2f: {  	s20 =	sand.u32 @!p0 $0x200, s20;
	s19 =	sor.u32 @!p0 s8, s19  }
0x30: {  	s19 =	sor.u32 @!p0 s20, s19  }
0x31: {  	s19 =	sshrl.u32 @!p0 s19, $0x9  }
0x32: {  	s20 =	smulhi.u32 @!p0 $0x3333334, s19;
	_ =	sdelay $0x1  }
0x33: {  	s20 =	smul.u32 @!p0 $0x50, s20  }
0x34: {  	s31 =	sadd.s32 $0xFFFFFFFF, s15;
	s21 =	smul.u32 @!p0 $0x1400, s14  }
0x35: {  	s22 =	sxor.u32 @!p0 $0xFFFFFFFF, s15;
	s19 =	ssub.s32 @!p0 s19, s20;
	s20 =	sshll.u32 @!p0 s13, $0x4  }
0x36: {  	s22 =	sshll.u32 @!p0 s22, $0xE;
	s21 =	sadd.s32 @!p0 s7, s21;
	s20 =	sand.u32 @!p0 $0x30, s20  }
0x37: {  	s22 =	sand.u32 @!p0 $0x4000, s22;
	s19 =	sshll.u32 @!p0 s19, $0x6;
	s20 =	sadd.s32 @!p0 s20, s21  }
0x38: {  	s21 =	simm.s32 @!p0 $0xA000;
	s19 =	sadd.s32 @!p0 s19, s20;
	s20 =	simm.s32 @!p0 $0x80  }
0x39: {  	[tilespmem:s22], [sflag:$0x1] =	stream.strided.gather @!p0 [hbm4b:s19+s20], $0x4000, s21, s20, $0x38;
	[tilespmem:$0x10000] =	vst v63  }
0x3a: {  	p0 =	sge.u32 s31, s6  }
.Ltmp2:
0x3b: {  	_ = 	snop;
	(pc) =	sbr.rel @p0 .LBB1_5-.Ltmp2, $1  }
0x3c: {  	_ =	sdelay $0x3  }
0x3d: {  	s19 =	sand.u32 $0x4000, s12  }
0x3e: {  	s20 =	sor.u32 $0x70, s19  }
0x3f: {  	v1 =	vmov s20;
	_ =	sdelay $0x1  }
0x40: {  	_ =	swait.ge [sflag:s5], $0x4000  }
0x41: {  	[sflag:s5] =	ssyncset.done $0x0  }
0x42: {  	s21 =	simm.s32 $0x0;
	[sflag:s5] =	ssyncadd.s32 $0xFFFFC000  }
0x43: {  	s19 =	sor.u32 $0x8040, s19;
	v7 =	vld.idx.msk [tilespmem:v1+s21+$0x0 ss:$0x1], $0xffff  }
0x44: {  	v0 =	vmov s19;
	v8 =	vld.idx.msk [tilespmem:v1+s21+$0xFFFFFF90 ss:$0x1], $0xffff  }
0x45: {  	v6 =	vld.idx.msk [tilespmem:v1+s21+$0xFFFFFFA0 ss:$0x1], $0xffff  }
0x46: {  	v4 =	vld.idx.msk [tilespmem:v1+s21+$0xFFFFFFB0 ss:$0x1], $0xffff  }
0x47: {  	v2 =	vld.idx.msk [tilespmem:v1+s21+$0xFFFFFFC0 ss:$0x1], $0xffff  }
0x48: {  	s31 =	sshll.u32 s15, $0xE;
	v3 =	vld.idx.msk [tilespmem:v1+s21+$0xFFFFFFD0 ss:$0x1], $0xffff  }
0x49: {  	s19 =	sand.u32 $0x4000, s31;
	v5 =	vld.idx.msk [tilespmem:v1+s21+$0xFFFFFFE0 ss:$0x1], $0xffff;
	[tilespmem:v0+s21+$0x30 ss:$0x1] =	vst.idx.msk $0xffff, v7  }
0x4a: {  	s22 =	simm.s32 $0x400;
	s20 =	simm.s32 $0x80;
	s19 =	sor.u32 $0x8000, s19;
	[tilespmem:v0+s21+$0xFFFFFFC0 ss:$0x1] =	vst.idx.msk $0xffff, v8;
	v7 =	vld.idx.msk [tilespmem:v1+s21+$0xFFFFFFF0 ss:$0x1], $0xffff  }
.LBB1_3:
0x4b: {  	p0 =	sne.s32 s22, $0xFE00;
	v8 =	vld.idx.msk [tilespmem:v1+s20+$0x0 ss:$0x1], $0xffff;
	[tilespmem:v0+s21+$0xFFFFFFD0 ss:$0x1] =	vst.idx.msk $0xffff, v6  }
0x4c: {  	v9 =	vld.idx.msk [tilespmem:v1+s20+$0xFFFFFF90 ss:$0x1], $0xffff;
	[tilespmem:v0+s21+$0xFFFFFFE0 ss:$0x1] =	vst.idx.msk $0xffff, v4  }
0x4d: {  	v6 =	vld.idx.msk [tilespmem:v1+s20+$0xFFFFFFA0 ss:$0x1], $0xffff;
	[tilespmem:v0+s21+$0xFFFFFFF0 ss:$0x1] =	vst.idx.msk $0xffff, v2  }
.Ltmp3:
0x4e: {  	v4 =	vld.idx.msk [tilespmem:v1+s20+$0xFFFFFFB0 ss:$0x1], $0xffff;
	[tilespmem:v0+s21+$0x0 ss:$0x1] =	vst.idx.msk $0xffff, v3;
	(pc) =	sbr.rel @p0 .LBB1_3-.Ltmp3, $4  }
0x4f: {  	v2 =	vld.idx.msk [tilespmem:v1+s20+$0xFFFFFFC0 ss:$0x1], $0xffff;
	[tilespmem:v0+s21+$0x10 ss:$0x1] =	vst.idx.msk $0xffff, v5  }
0x50: {  	v3 =	vld.idx.msk [tilespmem:v1+s20+$0xFFFFFFD0 ss:$0x1], $0xffff;
	[tilespmem:v0+s21+$0x20 ss:$0x1] =	vst.idx.msk $0xffff, v7;
	s21 =	smov.u32 s20  }
0x51: {  	v5 =	vld.idx.msk [tilespmem:v1+s21+$0xFFFFFFE0 ss:$0x1], $0xffff;
	[tilespmem:v0+s21+$0x30 ss:$0x1] =	vst.idx.msk $0xffff, v8  }
0x52: {  	s20 =	sshra.s32 s22, $0x2;
	s22 =	sadd.s32 $0x200, s22;
	[tilespmem:v0+s21+$0xFFFFFFC0 ss:$0x1] =	vst.idx.msk $0xffff, v9;
	v7 =	vld.idx.msk [tilespmem:v1+s21+$0xFFFFFFF0 ss:$0x1], $0xffff  }
.Ltmp4:
0x53: {  	_ = 	snop;
	(pc) =	sbr.rel .LBB1_4-.Ltmp4, $1  }
0x54: {  	_ =	sdelay $0x3  }
.LBB1_6:
0x55: {  	_ =	sfence.sel $0x180000  }
0x56: {  	s1 =	simm.s32 $0x1;
	[bflag:$0x0] =	sbarrier.arrive $0xFFFF  }
0x57: {  	s31 =	simm.s32 $0x2;
	[sflag:s1] =	ssyncpa.u1 $0x1  }
0x58: {  	[sflag:s31] =	ssyncpa.u1 $0x1  }
0x59: {  	p0 =	sne.s32 s0, $0x0;
	_ =	strace $0x9000004D  }
0x5a: {  	s0 =	sadd.s32 @!p0 $0x100000, s4;
	[bflag:$0x2] =	sbarrier.arrive $0xFFFF  }
0x5b: {  	[sflag:s0] =	ssyncadd.tile.s32 @!p0 $0x1;
	_ =	shalt  }
.Lfunc_end1:
_tile_overlayer_lowered:
.L_overlay_start_2:
0x5c: {  	(tag) =	ssettag $0x2  }
0x5d: {  	s0 =	rddreg [dreg:$0x0];
	s2 =	stileid.u32  }
0x5e: {  	s1 =	rddreg [dreg:$0x1];
	p0 =	sne.s32 s2, $0x0  }
0x5f: {  	s3 =	rddreg [dreg:$0x2];
	[bflag:$0x3] =	sbarrier.arrive $0xFFFF;
	s2 =	simm.s32 @!p0 $0x1C01  }
0x60: {  	[timem:s3], [sflag:s2] =	dma.local @!p0 [hbm:s0], s1  }
0x61: {  	s0 =	simm.s32 @!p0 $0x1  }
0x62: {  	_ =	swait.ge @!p0 [sflag:s0], s1  }
0x63: {  	s1 =	ssub.s32 @!p0 $0x0, s1;
	[sflag:s0] =	ssyncset.done @!p0 $0x0  }
0x64: {  	[sflag:s0] =	ssyncadd.s32 @!p0 s1  }
0x65: {  	[bflag:$0x3] =	sbarrier.arrive $0xFFFF  }
0x66: {  	_ =	shalt  }

</sc_bundles>
